<compile_context>
chip_gen: v7x
topology: tpu7x:2x2x1
jax: 0.10.2.dev20260603
libtpu: 0.0.44.dev20260713+nightly
codegen_flags: <defaults>
</compile_context>

<pallas_src>
import functools

import jax
import jax.numpy as jnp
from jax import lax
from jax.experimental import pallas as pl
from jax.experimental.pallas import tpu as pltpu
from jax.experimental.pallas import tpu_sc as plsc

N = 10000
NPAD = 10240
E = 320000
D = 128
G = 128

NC, NS, L = 2, 16, 16
NW = NC * NS
EPW = E // NW
C = 80
NCHUNK = EPW // C
RPT = NPAD // NS


def _pre_body(x_ref, wproj_ref, bproj_ref, wds_ref, hv_ref, pdps_ref):
    x = x_ref[...]
    hv_ref[...] = jnp.dot(x, wproj_ref[...],
                          preferred_element_type=jnp.float32) + bproj_ref[...]
    pdps_ref[...] = jnp.dot(x, wds_ref[...],
                            preferred_element_type=jnp.float32)


def _pre_call(x_pad, W_proj, b_proj, wds):
    blk = 1024
    grid = NPAD // blk
    return pl.pallas_call(
        _pre_body,
        grid=(grid,),
        in_specs=[
            pl.BlockSpec((blk, D), lambda i: (i, 0)),
            pl.BlockSpec((D, G), lambda i: (0, 0)),
            pl.BlockSpec((1, G), lambda i: (0, 0)),
            pl.BlockSpec((D, 8), lambda i: (0, 0)),
        ],
        out_specs=[
            pl.BlockSpec((blk, G), lambda i: (i, 0)),
            pl.BlockSpec((blk, 8), lambda i: (i, 0)),
        ],
        out_shape=[
            jax.ShapeDtypeStruct((NPAD, G), jnp.float32),
            jax.ShapeDtypeStruct((NPAD, 8), jnp.float32),
        ],
    )(x_pad, W_proj, b_proj, wds)


def _sc_body(src_hbm, dst_hbm, pd_hbm, ps_hbm, hv_hbm, c_out, s_out,
             pd_v, ps_v, src_v, dst_v, s_loc, rows_v, sem,
             c_sh):
    core = lax.axis_index("c")
    sub = lax.axis_index("s")
    wid = sub * NC + core
    tid = sub

    pltpu.sync_copy(pd_hbm, pd_v)
    pltpu.sync_copy(ps_hbm, ps_v)

    zvec = jnp.zeros((L,), jnp.float32)

    def _zero_row(r, _):
        for k in range(8):
            rows_v[r, k * L:(k + 1) * L] = zvec
        return ()

    lax.fori_loop(0, C, _zero_row, ())

    def _zero_s(j, _):
        s_loc[pl.ds(j * L, L)] = zvec
        return ()

    lax.fori_loop(0, NPAD // L, _zero_s, ())

    for j in range(RPT // C):
        pltpu.sync_copy(rows_v, c_sh.at[pl.ds(tid * RPT + j * C, C)])
    plsc.subcore_barrier()

    def _chunk(i, _):
        base = wid * EPW + i * C
        pltpu.sync_copy(src_hbm.at[pl.ds(base, C)], src_v)
        pltpu.sync_copy(dst_hbm.at[pl.ds(base, C)], dst_v)
        pltpu.async_copy(hv_hbm.at[src_v], rows_v, sem).wait()

        def _group(g, _):
            idx_d = dst_v[pl.ds(g * L, L)]
            idx_s = src_v[pl.ds(g * L, L)]
            t = plsc.load_gather(pd_v, [idx_d]) + plsc.load_gather(ps_v, [idx_s])
            w = jnp.exp(jnp.maximum(t, 0.01 * t))
            plsc.addupdate_scatter(s_loc, [idx_d], w)
            for e in range(L):
                we = lax.broadcast_in_dim(w[e], (L,), ())
                row = g * L + e
                for k in range(8):
                    rows_v[row, k * L:(k + 1) * L] = (
                        rows_v[row, k * L:(k + 1) * L] * we)
            return ()

        lax.fori_loop(0, C // L, _group, ())

        pltpu.sync_copy(rows_v, c_sh.at[dst_v], add=True)
        return ()

    lax.fori_loop(0, NCHUNK, _chunk, ())
    plsc.subcore_barrier()

    r0 = tid * RPT
    pltpu.sync_copy(c_sh.at[pl.ds(r0, RPT)], c_out.at[core, pl.ds(r0, RPT)])
    pltpu.sync_copy(s_loc, s_out.at[core, tid])


def _sc_call(src, dst, pd, ps, hv):
    mesh = plsc.VectorSubcoreMesh(core_axis_name="c", subcore_axis_name="s")
    f = pl.kernel(
        _sc_body,
        compiler_params=pltpu.CompilerParams(needs_layout_passes=False),
        out_type=[
            jax.ShapeDtypeStruct((NC, NPAD, G), jnp.float32),
            jax.ShapeDtypeStruct((NC, NS, NPAD), jnp.float32),
        ],
        mesh=mesh,
        scratch_types=[
            pltpu.VMEM((NPAD,), jnp.float32),
            pltpu.VMEM((NPAD,), jnp.float32),
            pltpu.VMEM((C,), jnp.int32),
            pltpu.VMEM((C,), jnp.int32),
            pltpu.VMEM((NPAD,), jnp.float32),
            pltpu.VMEM((C, G), jnp.float32),
            pltpu.SemaphoreType.DMA,
            pltpu.VMEM_SHARED((NPAD, G), jnp.float32),
        ],
    )
    return f(src, dst, pd, ps, hv)


def _post_body(x_ref, c0_ref, c1_ref, s_ref, wih_ref, bih_ref,
               whh_ref, bhh_ref, out_ref):
    x = x_ref[...]
    s = jnp.sum(s_ref[...], axis=0)[:, None]
    rs = 1.0 / jnp.maximum(s, 1e-30)
    cc = (c0_ref[...] + c1_ref[...]) * rs
    ctx = jnp.where(cc > 0, cc, jnp.exp(cc) - 1.0)
    gi = jnp.dot(ctx, wih_ref[...], preferred_element_type=jnp.float32) + bih_ref[...]
    gh = jnp.dot(x, whh_ref[...], preferred_element_type=jnp.float32) + bhh_ref[...]
    r = jax.nn.sigmoid(gi[:, 0:D] + gh[:, 0:D])
    z = jax.nn.sigmoid(gi[:, D:2 * D] + gh[:, D:2 * D])
    n = jnp.tanh(gi[:, 2 * D:3 * D] + r * gh[:, 2 * D:3 * D])
    h = (1.0 - z) * n + z * x
    out_ref[...] = jnp.maximum(h, 0.0)


def _post_call(x_pad, c0, c1, s32, wihT, b_ih, whhT, b_hh):
    blk = 1024
    grid = NPAD // blk
    return pl.pallas_call(
        _post_body,
        grid=(grid,),
        in_specs=[
            pl.BlockSpec((blk, D), lambda i: (i, 0)),
            pl.BlockSpec((blk, G), lambda i: (i, 0)),
            pl.BlockSpec((blk, G), lambda i: (i, 0)),
            pl.BlockSpec((NW, blk), lambda i: (0, i)),
            pl.BlockSpec((G, 3 * D), lambda i: (0, 0)),
            pl.BlockSpec((1, 3 * D), lambda i: (0, 0)),
            pl.BlockSpec((D, 3 * D), lambda i: (0, 0)),
            pl.BlockSpec((1, 3 * D), lambda i: (0, 0)),
        ],
        out_specs=pl.BlockSpec((blk, D), lambda i: (i, 0)),
        out_shape=jax.ShapeDtypeStruct((NPAD, D), jnp.float32),
    )(x_pad, c0, c1, s32, wihT, b_ih, whhT, b_hh)


def kernel(x, edge_index, W_edge, b_edge, W_proj, b_proj, W_ih, W_hh, b_ih, b_hh):
    x_pad = jnp.pad(x, ((0, NPAD - N), (0, 0)))
    wds = jnp.concatenate(
        [W_edge[:D], W_edge[D:], jnp.zeros((D, 6), jnp.float32)], axis=1)
    hv, pdps = _pre_call(x_pad, W_proj, b_proj.reshape(1, G), wds)
    pd = pdps[:, 0] + b_edge[0]
    ps = pdps[:, 1]

    c_out, s_out = _sc_call(edge_index[0], edge_index[1], pd, ps, hv)

    out = _post_call(
        x_pad, c_out[0], c_out[1], s_out.reshape(NW, NPAD),
        W_ih.T, b_ih.reshape(1, 3 * D), W_hh.T, b_hh.reshape(1, 3 * D))
    return out[:N]

# --- scband reference (transcript-rebuilt; emitter-appended) ---
"""Pipeline reference for scband-su-p-pka-predictor-25409026524080 (READ-ONLY COPY).

The authoritative reference and input builder live on the scoring server;
editing this copy changes nothing except your own understanding.
"""

import jax, jax.numpy as jnp
import numpy as np

N = 10000
E = 320000
D = 128   # node_feat_size
G = 128   # graph_feat_size (edge_hidden_size)


def setup_inputs(seed: int = 0) -> dict:
    key = jax.random.key(seed)
    ks = jax.random.split(key, 12)
    x = jax.random.normal(ks[0], (N, D), dtype=jnp.float32)
    edge_index = jax.random.randint(ks[1], (2, E), 0, N, dtype=jnp.int32)
    s = 0.05
    W_edge = s * jax.random.normal(ks[2], (2 * D, 1), dtype=jnp.float32)
    b_edge = s * jax.random.normal(ks[3], (1,), dtype=jnp.float32)
    W_proj = s * jax.random.normal(ks[4], (D, G), dtype=jnp.float32)
    b_proj = s * jax.random.normal(ks[5], (G,), dtype=jnp.float32)
    W_ih = s * jax.random.normal(ks[6], (3 * D, G), dtype=jnp.float32)
    W_hh = s * jax.random.normal(ks[7], (3 * D, D), dtype=jnp.float32)
    b_ih = s * jax.random.normal(ks[8], (3 * D,), dtype=jnp.float32)
    b_hh = s * jax.random.normal(ks[9], (3 * D,), dtype=jnp.float32)
    return {"x": x, "edge_index": edge_index, "W_edge": W_edge, "b_edge": b_edge,
            "W_proj": W_proj, "b_proj": b_proj, "W_ih": W_ih, "W_hh": W_hh,
            "b_ih": b_ih, "b_hh": b_hh}


def reference(x, edge_index, W_edge, b_edge, W_proj, b_proj, W_ih, W_hh, b_ih, b_hh):
    src = edge_index[0]
    dst = edge_index[1]
    # GNNLayer.apply_edges: he = cat([dst_feats, src_feats], dim=1)
    he = jnp.concatenate([x[dst], x[src]], axis=1)
    # project_edge: Linear(2D -> 1) + LeakyReLU (dropout is identity in eval)
    logits = jax.nn.leaky_relu(he @ W_edge + b_edge, negative_slope=0.01)[:, 0]
    # edge_softmax over incoming edges per destination node
    seg_max = jax.ops.segment_max(logits, dst, num_segments=N)
    seg_max = jnp.where(jnp.isfinite(seg_max), seg_max, 0.0)
    ex = jnp.exp(logits - seg_max[dst])
    seg_sum = jax.ops.segment_sum(ex, dst, num_segments=N)
    a = ex / seg_sum[dst]
    # AttentiveGRU2: project_node then src_mul_edge + sum reduce
    hv = x @ W_proj + b_proj
    msg = hv[src] * a[:, None]
    c = jax.ops.segment_sum(msg, dst, num_segments=N)
    context = jax.nn.elu(c)
    # GRUCell(context, x)
    gi = context @ W_ih.T + b_ih
    gh = x @ W_hh.T + b_hh
    i_r, i_z, i_n = jnp.split(gi, 3, axis=1)
    h_r, h_z, h_n = jnp.split(gh, 3, axis=1)
    r = jax.nn.sigmoid(i_r + h_r)
    z = jax.nn.sigmoid(i_z + h_z)
    n = jnp.tanh(i_n + r * h_n)
    h_new = (1.0 - z) * n + z * x
    return jax.nn.relu(h_new)

if __name__ == "__main__":
    import jax
    _d = setup_inputs()
    print(jax.jit(kernel)(*tuple(_d.values())))

</pallas_src>

<mosaic_0001>
#map = affine_map<(d0, d1) -> (0)>
#map1 = affine_map<(d0, d1) -> (0, 0)>
#map2 = affine_map<(d0, d1) -> (0, 0, 0)>
module attributes {stable_mosaic.version = 14 : i64} {
  func.func @_sc_body(%arg0: i32, %arg1: i32, %arg2: memref<320000xi32, #tpu.memory_space<hbm>>, %arg3: memref<320000xi32, #tpu.memory_space<hbm>>, %arg4: memref<10240xf32, #tpu.memory_space<hbm>>, %arg5: memref<10240xf32, #tpu.memory_space<hbm>>, %arg6: memref<10240x128xf32, #tpu.memory_space<hbm>>, %arg7: memref<2x10240x128xf32, #tpu.memory_space<hbm>>, %arg8: memref<2x16x10240xf32, #tpu.memory_space<hbm>>, %arg9: memref<10240xf32, #tpu.memory_space<vmem>>, %arg10: memref<10240xf32, #tpu.memory_space<vmem>>, %arg11: memref<80xi32, #tpu.memory_space<vmem>>, %arg12: memref<80xi32, #tpu.memory_space<vmem>>, %arg13: memref<10240xf32, #tpu.memory_space<vmem>>, %arg14: memref<80x128xf32, #tpu.memory_space<vmem>>, %arg15: memref<!tpu.dma_semaphore, #tpu.memory_space<semaphore_mem>>, %arg16: memref<10240x128xf32, #tpu.memory_space<vmem_shared>>) attributes {dimension_semantics = [#tpu.dimension_semantics<core_parallel>, #tpu.dimension_semantics<subcore_parallel>], iteration_bounds = array<i64: 2, 16>, scalar_prefetch = 0 : i64, scratch_operands = 8 : i64, tpu.core_type = #tpu.core_type<sc_vector_subcore>, window_params = [{transform_indices = #map}, {transform_indices = #map}, {transform_indices = #map}, {transform_indices = #map}, {transform_indices = #map1}, {transform_indices = #map2}, {transform_indices = #map2}]} {
    %mul3A = arith.constant 2 : i32
    %mul3A_0 = arith.muli %arg1, %mul3A : i32
    %add3A = arith.addi %mul3A_0, %arg0 : i32
    "tpu.region"() ({
      %run_scoped3A = tpu.sem_alloc : memref<!tpu.dma_semaphore, #tpu.memory_space<semaphore_mem>>
      tpu.enqueue_dma source(%arg4 : memref<10240xf32, #tpu.memory_space<hbm>>) target(%arg9 : memref<10240xf32, #tpu.memory_space<vmem>>) target_semaphore(%run_scoped3A : memref<!tpu.dma_semaphore, #tpu.memory_space<semaphore_mem>>)
      tpu.wait_dma2 semaphore(%run_scoped3A : memref<!tpu.dma_semaphore, #tpu.memory_space<semaphore_mem>>) src(%arg4 : memref<10240xf32, #tpu.memory_space<hbm>>) dst(%arg9 : memref<10240xf32, #tpu.memory_space<vmem>>)
      tpu.yield
    }) : () -> ()
    "tpu.region"() ({
      %run_scoped3A = tpu.sem_alloc : memref<!tpu.dma_semaphore, #tpu.memory_space<semaphore_mem>>
      tpu.enqueue_dma source(%arg5 : memref<10240xf32, #tpu.memory_space<hbm>>) target(%arg10 : memref<10240xf32, #tpu.memory_space<vmem>>) target_semaphore(%run_scoped3A : memref<!tpu.dma_semaphore, #tpu.memory_space<semaphore_mem>>)
      tpu.wait_dma2 semaphore(%run_scoped3A : memref<!tpu.dma_semaphore, #tpu.memory_space<semaphore_mem>>) src(%arg5 : memref<10240xf32, #tpu.memory_space<hbm>>) dst(%arg10 : memref<10240xf32, #tpu.memory_space<vmem>>)
      tpu.yield
    }) : () -> ()
    %broadcast_in_dim3A = arith.constant 0.000000e+00 : f32
    %broadcast_in_dim3A_1 = vector.broadcast %broadcast_in_dim3A : f32 to vector<16xf32>
    %scan3A = arith.constant 0 : i32
    %scan3A_2 = arith.constant 80 : i32
    %scan3A_3 = arith.addi %scan3A, %scan3A_2 : i32
    %scan3A_4 = arith.constant 1 : i32
    scf.for %scan3A_51 = %scan3A to %scan3A_3 step %scan3A_4  : i32 {
      %swap3A = arith.index_cast %scan3A_51 : i32 to index
      %swap3A_52 = arith.constant 0 : index
      %swap3A_53 = tpu.vector_load %arg14[%swap3A, %swap3A_52] {strides = array<i32>} : memref<80x128xf32, #tpu.memory_space<vmem>>, vector<16xf32>,
      tpu.vector_store %arg14[%swap3A, %swap3A_52], %broadcast_in_dim3A_1 {strides = array<i32>} : memref<80x128xf32, #tpu.memory_space<vmem>>, vector<16xf32>,
      %swap3A_54 = arith.index_cast %scan3A_51 : i32 to index
      %swap3A_55 = arith.constant 16 : index
      %swap3A_56 = tpu.vector_load %arg14[%swap3A_54, %swap3A_55] {strides = array<i32>} : memref<80x128xf32, #tpu.memory_space<vmem>>, vector<16xf32>,
      tpu.vector_store %arg14[%swap3A_54, %swap3A_55], %broadcast_in_dim3A_1 {strides = array<i32>} : memref<80x128xf32, #tpu.memory_space<vmem>>, vector<16xf32>,
      %swap3A_57 = arith.index_cast %scan3A_51 : i32 to index
      %swap3A_58 = arith.constant 32 : index
      %swap3A_59 = tpu.vector_load %arg14[%swap3A_57, %swap3A_58] {strides = array<i32>} : memref<80x128xf32, #tpu.memory_space<vmem>>, vector<16xf32>,
      tpu.vector_store %arg14[%swap3A_57, %swap3A_58], %broadcast_in_dim3A_1 {strides = array<i32>} : memref<80x128xf32, #tpu.memory_space<vmem>>, vector<16xf32>,
      %swap3A_60 = arith.index_cast %scan3A_51 : i32 to index
      %swap3A_61 = arith.constant 48 : index
      %swap3A_62 = tpu.vector_load %arg14[%swap3A_60, %swap3A_61] {strides = array<i32>} : memref<80x128xf32, #tpu.memory_space<vmem>>, vector<16xf32>,
      tpu.vector_store %arg14[%swap3A_60, %swap3A_61], %broadcast_in_dim3A_1 {strides = array<i32>} : memref<80x128xf32, #tpu.memory_space<vmem>>, vector<16xf32>,
      %swap3A_63 = arith.index_cast %scan3A_51 : i32 to index
      %swap3A_64 = arith.constant 64 : index
      %swap3A_65 = tpu.vector_load %arg14[%swap3A_63, %swap3A_64] {strides = array<i32>} : memref<80x128xf32, #tpu.memory_space<vmem>>, vector<16xf32>,
      tpu.vector_store %arg14[%swap3A_63, %swap3A_64], %broadcast_in_dim3A_1 {strides = array<i32>} : memref<80x128xf32, #tpu.memory_space<vmem>>, vector<16xf32>,
      %swap3A_66 = arith.index_cast %scan3A_51 : i32 to index
      %swap3A_67 = arith.constant 80 : index
      %swap3A_68 = tpu.vector_load %arg14[%swap3A_66, %swap3A_67] {strides = array<i32>} : memref<80x128xf32, #tpu.memory_space<vmem>>, vector<16xf32>,
      tpu.vector_store %arg14[%swap3A_66, %swap3A_67], %broadcast_in_dim3A_1 {strides = array<i32>} : memref<80x128xf32, #tpu.memory_space<vmem>>, vector<16xf32>,
      %swap3A_69 = arith.index_cast %scan3A_51 : i32 to index
      %swap3A_70 = arith.constant 96 : index
      %swap3A_71 = tpu.vector_load %arg14[%swap3A_69, %swap3A_70] {strides = array<i32>} : memref<80x128xf32, #tpu.memory_space<vmem>>, vector<16xf32>,
      tpu.vector_store %arg14[%swap3A_69, %swap3A_70], %broadcast_in_dim3A_1 {strides = array<i32>} : memref<80x128xf32, #tpu.memory_space<vmem>>, vector<16xf32>,
      %swap3A_72 = arith.index_cast %scan3A_51 : i32 to index
      %swap3A_73 = arith.constant 112 : index
      %swap3A_74 = tpu.vector_load %arg14[%swap3A_72, %swap3A_73] {strides = array<i32>} : memref<80x128xf32, #tpu.memory_space<vmem>>, vector<16xf32>,
      tpu.vector_store %arg14[%swap3A_72, %swap3A_73], %broadcast_in_dim3A_1 {strides = array<i32>} : memref<80x128xf32, #tpu.memory_space<vmem>>, vector<16xf32>,
    }
    %scan3A_5 = arith.constant 80 : i32
    %scan3A_6 = arith.constant 0 : i32
    %scan3A_7 = arith.constant 640 : i32
    %scan3A_8 = arith.addi %scan3A_6, %scan3A_7 : i32
    %scan3A_9 = arith.constant 1 : i32
    scf.for %scan3A_51 = %scan3A_6 to %scan3A_8 step %scan3A_9  : i32 {
      %mul3A_52 = arith.constant 16 : i32
      %mul3A_53 = arith.muli %scan3A_51, %mul3A_52 : i32
      %swap3A = arith.index_cast %mul3A_53 : i32 to index
      %swap3A_54 = tpu.vector_load %arg13[%swap3A] {strides = array<i32>} : memref<10240xf32, #tpu.memory_space<vmem>>, vector<16xf32>,
      tpu.vector_store %arg13[%swap3A], %broadcast_in_dim3A_1 {strides = array<i32>} : memref<10240xf32, #tpu.memory_space<vmem>>, vector<16xf32>,
    }
    %scan3A_10 = arith.constant 640 : i32
    %mul3A_11 = arith.constant 640 : i32
    %mul3A_12 = arith.muli %arg1, %mul3A_11 : i32
    %add3A_13 = arith.constant 0 : i32
    %add3A_14 = arith.addi %mul3A_12, %add3A_13 : i32
    "tpu.region"() ({
      %run_scoped3A = tpu.sem_alloc : memref<!tpu.dma_semaphore, #tpu.memory_space<semaphore_mem>>
      %dma_start3A = arith.constant 0 : i32
      %dma_start3A_51 = tpu.memref_slice %arg16[%add3A_14, %dma_start3A] : memref<10240x128xf32, #tpu.memory_space<vmem_shared>> -> memref<80x128xf32, #tpu.memory_space<vmem_shared>>
      %dma_start3A_52 = arith.constant 0 : i32
      %dma_start3A_53 = tpu.memref_slice %arg16[%add3A_14, %dma_start3A_52] : memref<10240x128xf32, #tpu.memory_space<vmem_shared>> -> memref<80x128xf32, #tpu.memory_space<vmem_shared>>
      tpu.enqueue_dma source(%arg14 : memref<80x128xf32, #tpu.memory_space<vmem>>) target(%dma_start3A_53 : memref<80x128xf32, #tpu.memory_space<vmem_shared>>) target_semaphore(%run_scoped3A : memref<!tpu.dma_semaphore, #tpu.memory_space<semaphore_mem>>)
      %dma_wait3A = arith.constant 0 : i32
      %dma_wait3A_54 = tpu.memref_slice %arg16[%add3A_14, %dma_wait3A] : memref<10240x128xf32, #tpu.memory_space<vmem_shared>> -> memref<80x128xf32, #tpu.memory_space<vmem_shared>>
      %dma_wait3A_55 = arith.constant 0 : i32
      %dma_wait3A_56 = tpu.memref_slice %arg16[%add3A_14, %dma_wait3A_55] : memref<10240x128xf32, #tpu.memory_space<vmem_shared>> -> memref<80x128xf32, #tpu.memory_space<vmem_shared>>
      tpu.wait_dma2 semaphore(%run_scoped3A : memref<!tpu.dma_semaphore, #tpu.memory_space<semaphore_mem>>) src(%arg14 : memref<80x128xf32, #tpu.memory_space<vmem>>) dst(%dma_wait3A_56 : memref<80x128xf32, #tpu.memory_space<vmem_shared>>)
      tpu.yield
    }) : () -> ()
    %mul3A_15 = arith.constant 640 : i32
    %mul3A_16 = arith.muli %arg1, %mul3A_15 : i32
    %add3A_17 = arith.constant 80 : i32
    %add3A_18 = arith.addi %mul3A_16, %add3A_17 : i32
    "tpu.region"() ({
      %run_scoped3A = tpu.sem_alloc : memref<!tpu.dma_semaphore, #tpu.memory_space<semaphore_mem>>
      %dma_start3A = arith.constant 0 : i32
      %dma_start3A_51 = tpu.memref_slice %arg16[%add3A_18, %dma_start3A] : memref<10240x128xf32, #tpu.memory_space<vmem_shared>> -> memref<80x128xf32, #tpu.memory_space<vmem_shared>>
      %dma_start3A_52 = arith.constant 0 : i32
      %dma_start3A_53 = tpu.memref_slice %arg16[%add3A_18, %dma_start3A_52] : memref<10240x128xf32, #tpu.memory_space<vmem_shared>> -> memref<80x128xf32, #tpu.memory_space<vmem_shared>>
      tpu.enqueue_dma source(%arg14 : memref<80x128xf32, #tpu.memory_space<vmem>>) target(%dma_start3A_53 : memref<80x128xf32, #tpu.memory_space<vmem_shared>>) target_semaphore(%run_scoped3A : memref<!tpu.dma_semaphore, #tpu.memory_space<semaphore_mem>>)
      %dma_wait3A = arith.constant 0 : i32
      %dma_wait3A_54 = tpu.memref_slice %arg16[%add3A_18, %dma_wait3A] : memref<10240x128xf32, #tpu.memory_space<vmem_shared>> -> memref<80x128xf32, #tpu.memory_space<vmem_shared>>
      %dma_wait3A_55 = arith.constant 0 : i32
      %dma_wait3A_56 = tpu.memref_slice %arg16[%add3A_18, %dma_wait3A_55] : memref<10240x128xf32, #tpu.memory_space<vmem_shared>> -> memref<80x128xf32, #tpu.memory_space<vmem_shared>>
      tpu.wait_dma2 semaphore(%run_scoped3A : memref<!tpu.dma_semaphore, #tpu.memory_space<semaphore_mem>>) src(%arg14 : memref<80x128xf32, #tpu.memory_space<vmem>>) dst(%dma_wait3A_56 : memref<80x128xf32, #tpu.memory_space<vmem_shared>>)
      tpu.yield
    }) : () -> ()
    %mul3A_19 = arith.constant 640 : i32
    %mul3A_20 = arith.muli %arg1, %mul3A_19 : i32
    %add3A_21 = arith.constant 160 : i32
    %add3A_22 = arith.addi %mul3A_20, %add3A_21 : i32
    "tpu.region"() ({
      %run_scoped3A = tpu.sem_alloc : memref<!tpu.dma_semaphore, #tpu.memory_space<semaphore_mem>>
      %dma_start3A = arith.constant 0 : i32
      %dma_start3A_51 = tpu.memref_slice %arg16[%add3A_22, %dma_start3A] : memref<10240x128xf32, #tpu.memory_space<vmem_shared>> -> memref<80x128xf32, #tpu.memory_space<vmem_shared>>
      %dma_start3A_52 = arith.constant 0 : i32
      %dma_start3A_53 = tpu.memref_slice %arg16[%add3A_22, %dma_start3A_52] : memref<10240x128xf32, #tpu.memory_space<vmem_shared>> -> memref<80x128xf32, #tpu.memory_space<vmem_shared>>
      tpu.enqueue_dma source(%arg14 : memref<80x128xf32, #tpu.memory_space<vmem>>) target(%dma_start3A_53 : memref<80x128xf32, #tpu.memory_space<vmem_shared>>) target_semaphore(%run_scoped3A : memref<!tpu.dma_semaphore, #tpu.memory_space<semaphore_mem>>)
      %dma_wait3A = arith.constant 0 : i32
      %dma_wait3A_54 = tpu.memref_slice %arg16[%add3A_22, %dma_wait3A] : memref<10240x128xf32, #tpu.memory_space<vmem_shared>> -> memref<80x128xf32, #tpu.memory_space<vmem_shared>>
      %dma_wait3A_55 = arith.constant 0 : i32
      %dma_wait3A_56 = tpu.memref_slice %arg16[%add3A_22, %dma_wait3A_55] : memref<10240x128xf32, #tpu.memory_space<vmem_shared>> -> memref<80x128xf32, #tpu.memory_space<vmem_shared>>
      tpu.wait_dma2 semaphore(%run_scoped3A : memref<!tpu.dma_semaphore, #tpu.memory_space<semaphore_mem>>) src(%arg14 : memref<80x128xf32, #tpu.memory_space<vmem>>) dst(%dma_wait3A_56 : memref<80x128xf32, #tpu.memory_space<vmem_shared>>)
      tpu.yield
    }) : () -> ()
    %mul3A_23 = arith.constant 640 : i32
    %mul3A_24 = arith.muli %arg1, %mul3A_23 : i32
    %add3A_25 = arith.constant 240 : i32
    %add3A_26 = arith.addi %mul3A_24, %add3A_25 : i32
    "tpu.region"() ({
      %run_scoped3A = tpu.sem_alloc : memref<!tpu.dma_semaphore, #tpu.memory_space<semaphore_mem>>
      %dma_start3A = arith.constant 0 : i32
      %dma_start3A_51 = tpu.memref_slice %arg16[%add3A_26, %dma_start3A] : memref<10240x128xf32, #tpu.memory_space<vmem_shared>> -> memref<80x128xf32, #tpu.memory_space<vmem_shared>>
      %dma_start3A_52 = arith.constant 0 : i32
      %dma_start3A_53 = tpu.memref_slice %arg16[%add3A_26, %dma_start3A_52] : memref<10240x128xf32, #tpu.memory_space<vmem_shared>> -> memref<80x128xf32, #tpu.memory_space<vmem_shared>>
      tpu.enqueue_dma source(%arg14 : memref<80x128xf32, #tpu.memory_space<vmem>>) target(%dma_start3A_53 : memref<80x128xf32, #tpu.memory_space<vmem_shared>>) target_semaphore(%run_scoped3A : memref<!tpu.dma_semaphore, #tpu.memory_space<semaphore_mem>>)
      %dma_wait3A = arith.constant 0 : i32
      %dma_wait3A_54 = tpu.memref_slice %arg16[%add3A_26, %dma_wait3A] : memref<10240x128xf32, #tpu.memory_space<vmem_shared>> -> memref<80x128xf32, #tpu.memory_space<vmem_shared>>
      %dma_wait3A_55 = arith.constant 0 : i32
      %dma_wait3A_56 = tpu.memref_slice %arg16[%add3A_26, %dma_wait3A_55] : memref<10240x128xf32, #tpu.memory_space<vmem_shared>> -> memref<80x128xf32, #tpu.memory_space<vmem_shared>>
      tpu.wait_dma2 semaphore(%run_scoped3A : memref<!tpu.dma_semaphore, #tpu.memory_space<semaphore_mem>>) src(%arg14 : memref<80x128xf32, #tpu.memory_space<vmem>>) dst(%dma_wait3A_56 : memref<80x128xf32, #tpu.memory_space<vmem_shared>>)
      tpu.yield
    }) : () -> ()
    %mul3A_27 = arith.constant 640 : i32
    %mul3A_28 = arith.muli %arg1, %mul3A_27 : i32
    %add3A_29 = arith.constant 320 : i32
    %add3A_30 = arith.addi %mul3A_28, %add3A_29 : i32
    "tpu.region"() ({
      %run_scoped3A = tpu.sem_alloc : memref<!tpu.dma_semaphore, #tpu.memory_space<semaphore_mem>>
      %dma_start3A = arith.constant 0 : i32
      %dma_start3A_51 = tpu.memref_slice %arg16[%add3A_30, %dma_start3A] : memref<10240x128xf32, #tpu.memory_space<vmem_shared>> -> memref<80x128xf32, #tpu.memory_space<vmem_shared>>
      %dma_start3A_52 = arith.constant 0 : i32
      %dma_start3A_53 = tpu.memref_slice %arg16[%add3A_30, %dma_start3A_52] : memref<10240x128xf32, #tpu.memory_space<vmem_shared>> -> memref<80x128xf32, #tpu.memory_space<vmem_shared>>
      tpu.enqueue_dma source(%arg14 : memref<80x128xf32, #tpu.memory_space<vmem>>) target(%dma_start3A_53 : memref<80x128xf32, #tpu.memory_space<vmem_shared>>) target_semaphore(%run_scoped3A : memref<!tpu.dma_semaphore, #tpu.memory_space<semaphore_mem>>)
      %dma_wait3A = arith.constant 0 : i32
      %dma_wait3A_54 = tpu.memref_slice %arg16[%add3A_30, %dma_wait3A] : memref<10240x128xf32, #tpu.memory_space<vmem_shared>> -> memref<80x128xf32, #tpu.memory_space<vmem_shared>>
      %dma_wait3A_55 = arith.constant 0 : i32
      %dma_wait3A_56 = tpu.memref_slice %arg16[%add3A_30, %dma_wait3A_55] : memref<10240x128xf32, #tpu.memory_space<vmem_shared>> -> memref<80x128xf32, #tpu.memory_space<vmem_shared>>
      tpu.wait_dma2 semaphore(%run_scoped3A : memref<!tpu.dma_semaphore, #tpu.memory_space<semaphore_mem>>) src(%arg14 : memref<80x128xf32, #tpu.memory_space<vmem>>) dst(%dma_wait3A_56 : memref<80x128xf32, #tpu.memory_space<vmem_shared>>)
      tpu.yield
    }) : () -> ()
    %mul3A_31 = arith.constant 640 : i32
    %mul3A_32 = arith.muli %arg1, %mul3A_31 : i32
    %add3A_33 = arith.constant 400 : i32
    %add3A_34 = arith.addi %mul3A_32, %add3A_33 : i32
    "tpu.region"() ({
      %run_scoped3A = tpu.sem_alloc : memref<!tpu.dma_semaphore, #tpu.memory_space<semaphore_mem>>
      %dma_start3A = arith.constant 0 : i32
      %dma_start3A_51 = tpu.memref_slice %arg16[%add3A_34, %dma_start3A] : memref<10240x128xf32, #tpu.memory_space<vmem_shared>> -> memref<80x128xf32, #tpu.memory_space<vmem_shared>>
      %dma_start3A_52 = arith.constant 0 : i32
      %dma_start3A_53 = tpu.memref_slice %arg16[%add3A_34, %dma_start3A_52] : memref<10240x128xf32, #tpu.memory_space<vmem_shared>> -> memref<80x128xf32, #tpu.memory_space<vmem_shared>>
      tpu.enqueue_dma source(%arg14 : memref<80x128xf32, #tpu.memory_space<vmem>>) target(%dma_start3A_53 : memref<80x128xf32, #tpu.memory_space<vmem_shared>>) target_semaphore(%run_scoped3A : memref<!tpu.dma_semaphore, #tpu.memory_space<semaphore_mem>>)
      %dma_wait3A = arith.constant 0 : i32
      %dma_wait3A_54 = tpu.memref_slice %arg16[%add3A_34, %dma_wait3A] : memref<10240x128xf32, #tpu.memory_space<vmem_shared>> -> memref<80x128xf32, #tpu.memory_space<vmem_shared>>
      %dma_wait3A_55 = arith.constant 0 : i32
      %dma_wait3A_56 = tpu.memref_slice %arg16[%add3A_34, %dma_wait3A_55] : memref<10240x128xf32, #tpu.memory_space<vmem_shared>> -> memref<80x128xf32, #tpu.memory_space<vmem_shared>>
      tpu.wait_dma2 semaphore(%run_scoped3A : memref<!tpu.dma_semaphore, #tpu.memory_space<semaphore_mem>>) src(%arg14 : memref<80x128xf32, #tpu.memory_space<vmem>>) dst(%dma_wait3A_56 : memref<80x128xf32, #tpu.memory_space<vmem_shared>>)
      tpu.yield
    }) : () -> ()
    %mul3A_35 = arith.constant 640 : i32
    %mul3A_36 = arith.muli %arg1, %mul3A_35 : i32
    %add3A_37 = arith.constant 480 : i32
    %add3A_38 = arith.addi %mul3A_36, %add3A_37 : i32
    "tpu.region"() ({
      %run_scoped3A = tpu.sem_alloc : memref<!tpu.dma_semaphore, #tpu.memory_space<semaphore_mem>>
      %dma_start3A = arith.constant 0 : i32
      %dma_start3A_51 = tpu.memref_slice %arg16[%add3A_38, %dma_start3A] : memref<10240x128xf32, #tpu.memory_space<vmem_shared>> -> memref<80x128xf32, #tpu.memory_space<vmem_shared>>
      %dma_start3A_52 = arith.constant 0 : i32
      %dma_start3A_53 = tpu.memref_slice %arg16[%add3A_38, %dma_start3A_52] : memref<10240x128xf32, #tpu.memory_space<vmem_shared>> -> memref<80x128xf32, #tpu.memory_space<vmem_shared>>
      tpu.enqueue_dma source(%arg14 : memref<80x128xf32, #tpu.memory_space<vmem>>) target(%dma_start3A_53 : memref<80x128xf32, #tpu.memory_space<vmem_shared>>) target_semaphore(%run_scoped3A : memref<!tpu.dma_semaphore, #tpu.memory_space<semaphore_mem>>)
      %dma_wait3A = arith.constant 0 : i32
      %dma_wait3A_54 = tpu.memref_slice %arg16[%add3A_38, %dma_wait3A] : memref<10240x128xf32, #tpu.memory_space<vmem_shared>> -> memref<80x128xf32, #tpu.memory_space<vmem_shared>>
      %dma_wait3A_55 = arith.constant 0 : i32
      %dma_wait3A_56 = tpu.memref_slice %arg16[%add3A_38, %dma_wait3A_55] : memref<10240x128xf32, #tpu.memory_space<vmem_shared>> -> memref<80x128xf32, #tpu.memory_space<vmem_shared>>
      tpu.wait_dma2 semaphore(%run_scoped3A : memref<!tpu.dma_semaphore, #tpu.memory_space<semaphore_mem>>) src(%arg14 : memref<80x128xf32, #tpu.memory_space<vmem>>) dst(%dma_wait3A_56 : memref<80x128xf32, #tpu.memory_space<vmem_shared>>)
      tpu.yield
    }) : () -> ()
    %mul3A_39 = arith.constant 640 : i32
    %mul3A_40 = arith.muli %arg1, %mul3A_39 : i32
    %add3A_41 = arith.constant 560 : i32
    %add3A_42 = arith.addi %mul3A_40, %add3A_41 : i32
    "tpu.region"() ({
      %run_scoped3A = tpu.sem_alloc : memref<!tpu.dma_semaphore, #tpu.memory_space<semaphore_mem>>
      %dma_start3A = arith.constant 0 : i32
      %dma_start3A_51 = tpu.memref_slice %arg16[%add3A_42, %dma_start3A] : memref<10240x128xf32, #tpu.memory_space<vmem_shared>> -> memref<80x128xf32, #tpu.memory_space<vmem_shared>>
      %dma_start3A_52 = arith.constant 0 : i32
      %dma_start3A_53 = tpu.memref_slice %arg16[%add3A_42, %dma_start3A_52] : memref<10240x128xf32, #tpu.memory_space<vmem_shared>> -> memref<80x128xf32, #tpu.memory_space<vmem_shared>>
      tpu.enqueue_dma source(%arg14 : memref<80x128xf32, #tpu.memory_space<vmem>>) target(%dma_start3A_53 : memref<80x128xf32, #tpu.memory_space<vmem_shared>>) target_semaphore(%run_scoped3A : memref<!tpu.dma_semaphore, #tpu.memory_space<semaphore_mem>>)
      %dma_wait3A = arith.constant 0 : i32
      %dma_wait3A_54 = tpu.memref_slice %arg16[%add3A_42, %dma_wait3A] : memref<10240x128xf32, #tpu.memory_space<vmem_shared>> -> memref<80x128xf32, #tpu.memory_space<vmem_shared>>
      %dma_wait3A_55 = arith.constant 0 : i32
      %dma_wait3A_56 = tpu.memref_slice %arg16[%add3A_42, %dma_wait3A_55] : memref<10240x128xf32, #tpu.memory_space<vmem_shared>> -> memref<80x128xf32, #tpu.memory_space<vmem_shared>>
      tpu.wait_dma2 semaphore(%run_scoped3A : memref<!tpu.dma_semaphore, #tpu.memory_space<semaphore_mem>>) src(%arg14 : memref<80x128xf32, #tpu.memory_space<vmem>>) dst(%dma_wait3A_56 : memref<80x128xf32, #tpu.memory_space<vmem_shared>>)
      tpu.yield
    }) : () -> ()
    %barrier3A = arith.constant 0 : index
    tpu.barrier barrier_id(%barrier3A)
    %scan3A_43 = arith.constant 0 : i32
    %scan3A_44 = arith.constant 125 : i32
    %scan3A_45 = arith.addi %scan3A_43, %scan3A_44 : i32
    %scan3A_46 = arith.constant 1 : i32
    scf.for %scan3A_51 = %scan3A_43 to %scan3A_45 step %scan3A_46  : i32 {
      %mul3A_52 = arith.constant 10000 : i32
      %mul3A_53 = arith.muli %add3A, %mul3A_52 : i32
      %mul3A_54 = arith.constant 80 : i32
      %mul3A_55 = arith.muli %scan3A_51, %mul3A_54 : i32
      %add3A_56 = arith.addi %mul3A_53, %mul3A_55 : i32
      "tpu.region"() ({
        %run_scoped3A = tpu.sem_alloc : memref<!tpu.dma_semaphore, #tpu.memory_space<semaphore_mem>>
        %dma_start3A_66 = tpu.memref_slice %arg2[%add3A_56] : memref<320000xi32, #tpu.memory_space<hbm>> -> memref<80xi32, #tpu.memory_space<hbm>>
        %dma_start3A_67 = tpu.memref_slice %arg2[%add3A_56] : memref<320000xi32, #tpu.memory_space<hbm>> -> memref<80xi32, #tpu.memory_space<hbm>>
        tpu.enqueue_dma source(%dma_start3A_67 : memref<80xi32, #tpu.memory_space<hbm>>) target(%arg11 : memref<80xi32, #tpu.memory_space<vmem>>) target_semaphore(%run_scoped3A : memref<!tpu.dma_semaphore, #tpu.memory_space<semaphore_mem>>)
        %dma_wait3A_68 = tpu.memref_slice %arg2[%add3A_56] : memref<320000xi32, #tpu.memory_space<hbm>> -> memref<80xi32, #tpu.memory_space<hbm>>
        %dma_wait3A_69 = tpu.memref_slice %arg2[%add3A_56] : memref<320000xi32, #tpu.memory_space<hbm>> -> memref<80xi32, #tpu.memory_space<hbm>>
        tpu.wait_dma2 semaphore(%run_scoped3A : memref<!tpu.dma_semaphore, #tpu.memory_space<semaphore_mem>>) src(%dma_wait3A_69 : memref<80xi32, #tpu.memory_space<hbm>>) dst(%arg11 : memref<80xi32, #tpu.memory_space<vmem>>)
        tpu.yield
      }) : () -> ()
      "tpu.region"() ({
        %run_scoped3A = tpu.sem_alloc : memref<!tpu.dma_semaphore, #tpu.memory_space<semaphore_mem>>
        %dma_start3A_66 = tpu.memref_slice %arg3[%add3A_56] : memref<320000xi32, #tpu.memory_space<hbm>> -> memref<80xi32, #tpu.memory_space<hbm>>
        %dma_start3A_67 = tpu.memref_slice %arg3[%add3A_56] : memref<320000xi32, #tpu.memory_space<hbm>> -> memref<80xi32, #tpu.memory_space<hbm>>
        tpu.enqueue_dma source(%dma_start3A_67 : memref<80xi32, #tpu.memory_space<hbm>>) target(%arg12 : memref<80xi32, #tpu.memory_space<vmem>>) target_semaphore(%run_scoped3A : memref<!tpu.dma_semaphore, #tpu.memory_space<semaphore_mem>>)
        %dma_wait3A_68 = tpu.memref_slice %arg3[%add3A_56] : memref<320000xi32, #tpu.memory_space<hbm>> -> memref<80xi32, #tpu.memory_space<hbm>>
        %dma_wait3A_69 = tpu.memref_slice %arg3[%add3A_56] : memref<320000xi32, #tpu.memory_space<hbm>> -> memref<80xi32, #tpu.memory_space<hbm>>
        tpu.wait_dma2 semaphore(%run_scoped3A : memref<!tpu.dma_semaphore, #tpu.memory_space<semaphore_mem>>) src(%dma_wait3A_69 : memref<80xi32, #tpu.memory_space<hbm>>) dst(%arg12 : memref<80xi32, #tpu.memory_space<vmem>>)
        tpu.yield
      }) : () -> ()
      %dma_start3A = arith.constant 0 : i32
      %dma_start3A_57 = arith.constant 0 : i32
      %dma_start3A_58 = tpu.memref_slice %arg6[%dma_start3A, %dma_start3A_57] : memref<10240x128xf32, #tpu.memory_space<hbm>> -> memref<10240x128xf32, #tpu.memory_space<hbm>>
      tpu.enqueue_indirect_dma source(%dma_start3A_58 : memref<10240x128xf32, #tpu.memory_space<hbm>>) target(%arg14 : memref<80x128xf32, #tpu.memory_space<vmem>>) offsets(%arg11 : memref<80xi32, #tpu.memory_space<vmem>>) semaphore(%arg15 : memref<!tpu.dma_semaphore, #tpu.memory_space<semaphore_mem>>)
      %dma_wait3A = arith.constant 0 : i32
      %dma_wait3A_59 = arith.constant 0 : i32
      %dma_wait3A_60 = tpu.memref_slice %arg6[%dma_wait3A, %dma_wait3A_59] : memref<10240x128xf32, #tpu.memory_space<hbm>> -> memref<10240x128xf32, #tpu.memory_space<hbm>>
      tpu.wait_indirect_dma semaphore(%arg15 : memref<!tpu.dma_semaphore, #tpu.memory_space<semaphore_mem>>) src(%dma_wait3A_60 : memref<10240x128xf32, #tpu.memory_space<hbm>>) dst(%arg14 : memref<80x128xf32, #tpu.memory_space<vmem>>)
      %scan3A_61 = arith.constant 0 : i32
      %scan3A_62 = arith.constant 5 : i32
      %scan3A_63 = arith.addi %scan3A_61, %scan3A_62 : i32
      %scan3A_64 = arith.constant 1 : i32
      scf.for %scan3A_66 = %scan3A_61 to %scan3A_63 step %scan3A_64  : i32 {
        %mul3A_67 = arith.constant 16 : i32
        %mul3A_68 = arith.muli %scan3A_66, %mul3A_67 : i32
        %get3A = arith.index_cast %mul3A_68 : i32 to index
        %get3A_69 = tpu.vector_load %arg12[%get3A] {strides = array<i32>} : memref<80xi32, #tpu.memory_space<vmem>>, vector<16xi32>,
        %mul3A_70 = arith.constant 16 : i32
        %mul3A_71 = arith.muli %scan3A_66, %mul3A_70 : i32
        %get3A_72 = arith.index_cast %mul3A_71 : i32 to index
        %get3A_73 = tpu.vector_load %arg11[%get3A_72] {strides = array<i32>} : memref<80xi32, #tpu.memory_space<vmem>>, vector<16xi32>,
        %gather3A = tpu.vector_load_idx %arg9[%get3A_69] : memref<10240xf32, #tpu.memory_space<vmem>>[vector<16xi32>], vector<16xf32>,
        %gather3A_74 = tpu.vector_load_idx %arg10[%get3A_73] : memref<10240xf32, #tpu.memory_space<vmem>>[vector<16xi32>], vector<16xf32>,
        %add3A_75 = arith.addf %gather3A, %gather3A_74 : vector<16xf32>
        %mul3A_76 = arith.constant 0.00999999977 : f32
        %mul3A_77 = vector.broadcast %mul3A_76 : f32 to vector<16xf32>
        %mul3A_78 = arith.mulf %mul3A_77, %add3A_75 : vector<16xf32>
        %max3A = arith.maximumf %add3A_75, %mul3A_78 : vector<16xf32>
        %exp3A = math.exp %max3A : vector<16xf32>
        tpu.vector_store_idx %arg13[%get3A_69], %exp3A {add = true} : memref<10240xf32, #tpu.memory_space<vmem>>[vector<16xi32>], vector<16xf32>,
        %slice3A = vector.extract_strided_slice %exp3A {offsets = [0], sizes = [1], strides = [1]} : vector<16xf32> to vector<1xf32>
        %squeeze3A = vector.extract %slice3A[0] : f32 from vector<1xf32>
        %broadcast_in_dim3A_79 = vector.broadcast %squeeze3A : f32 to vector<16xf32>
        %mul3A_80 = arith.constant 16 : i32
        %mul3A_81 = arith.muli %scan3A_66, %mul3A_80 : i32
        %add3A_82 = arith.constant 0 : i32
        %add3A_83 = arith.addi %mul3A_81, %add3A_82 : i32
        %get3A_84 = arith.index_cast %add3A_83 : i32 to index
        %get3A_85 = arith.constant 0 : index
        %get3A_86 = tpu.vector_load %arg14[%get3A_84, %get3A_85] {strides = array<i32>} : memref<80x128xf32, #tpu.memory_space<vmem>>, vector<16xf32>,
        %mul3A_87 = arith.mulf %get3A_86, %broadcast_in_dim3A_79 : vector<16xf32>
        %swap3A = arith.index_cast %add3A_83 : i32 to index
        %swap3A_88 = arith.constant 0 : index
        %swap3A_89 = tpu.vector_load %arg14[%swap3A, %swap3A_88] {strides = array<i32>} : memref<80x128xf32, #tpu.memory_space<vmem>>, vector<16xf32>,
        tpu.vector_store %arg14[%swap3A, %swap3A_88], %mul3A_87 {strides = array<i32>} : memref<80x128xf32, #tpu.memory_space<vmem>>, vector<16xf32>,
        %get3A_90 = arith.index_cast %add3A_83 : i32 to index
        %get3A_91 = arith.constant 16 : index
        %get3A_92 = tpu.vector_load %arg14[%get3A_90, %get3A_91] {strides = array<i32>} : memref<80x128xf32, #tpu.memory_space<vmem>>, vector<16xf32>,
        %mul3A_93 = arith.mulf %get3A_92, %broadcast_in_dim3A_79 : vector<16xf32>
        %swap3A_94 = arith.index_cast %add3A_83 : i32 to index
        %swap3A_95 = arith.constant 16 : index
        %swap3A_96 = tpu.vector_load %arg14[%swap3A_94, %swap3A_95] {strides = array<i32>} : memref<80x128xf32, #tpu.memory_space<vmem>>, vector<16xf32>,
        tpu.vector_store %arg14[%swap3A_94, %swap3A_95], %mul3A_93 {strides = array<i32>} : memref<80x128xf32, #tpu.memory_space<vmem>>, vector<16xf32>,
        %get3A_97 = arith.index_cast %add3A_83 : i32 to index
        %get3A_98 = arith.constant 32 : index
        %get3A_99 = tpu.vector_load %arg14[%get3A_97, %get3A_98] {strides = array<i32>} : memref<80x128xf32, #tpu.memory_space<vmem>>, vector<16xf32>,
        %mul3A_100 = arith.mulf %get3A_99, %broadcast_in_dim3A_79 : vector<16xf32>
        %swap3A_101 = arith.index_cast %add3A_83 : i32 to index
        %swap3A_102 = arith.constant 32 : index
        %swap3A_103 = tpu.vector_load %arg14[%swap3A_101, %swap3A_102] {strides = array<i32>} : memref<80x128xf32, #tpu.memory_space<vmem>>, vector<16xf32>,
        tpu.vector_store %arg14[%swap3A_101, %swap3A_102], %mul3A_100 {strides = array<i32>} : memref<80x128xf32, #tpu.memory_space<vmem>>, vector<16xf32>,
        %get3A_104 = arith.index_cast %add3A_83 : i32 to index
        %get3A_105 = arith.constant 48 : index
        %get3A_106 = tpu.vector_load %arg14[%get3A_104, %get3A_105] {strides = array<i32>} : memref<80x128xf32, #tpu.memory_space<vmem>>, vector<16xf32>,
        %mul3A_107 = arith.mulf %get3A_106, %broadcast_in_dim3A_79 : vector<16xf32>
        %swap3A_108 = arith.index_cast %add3A_83 : i32 to index
        %swap3A_109 = arith.constant 48 : index
        %swap3A_110 = tpu.vector_load %arg14[%swap3A_108, %swap3A_109] {strides = array<i32>} : memref<80x128xf32, #tpu.memory_space<vmem>>, vector<16xf32>,
        tpu.vector_store %arg14[%swap3A_108, %swap3A_109], %mul3A_107 {strides = array<i32>} : memref<80x128xf32, #tpu.memory_space<vmem>>, vector<16xf32>,
        %get3A_111 = arith.index_cast %add3A_83 : i32 to index
        %get3A_112 = arith.constant 64 : index
        %get3A_113 = tpu.vector_load %arg14[%get3A_111, %get3A_112] {strides = array<i32>} : memref<80x128xf32, #tpu.memory_space<vmem>>, vector<16xf32>,
        %mul3A_114 = arith.mulf %get3A_113, %broadcast_in_dim3A_79 : vector<16xf32>
        %swap3A_115 = arith.index_cast %add3A_83 : i32 to index
        %swap3A_116 = arith.constant 64 : index
        %swap3A_117 = tpu.vector_load %arg14[%swap3A_115, %swap3A_116] {strides = array<i32>} : memref<80x128xf32, #tpu.memory_space<vmem>>, vector<16xf32>,
        tpu.vector_store %arg14[%swap3A_115, %swap3A_116], %mul3A_114 {strides = array<i32>} : memref<80x128xf32, #tpu.memory_space<vmem>>, vector<16xf32>,
        %get3A_118 = arith.index_cast %add3A_83 : i32 to index
        %get3A_119 = arith.constant 80 : index
        %get3A_120 = tpu.vector_load %arg14[%get3A_118, %get3A_119] {strides = array<i32>} : memref<80x128xf32, #tpu.memory_space<vmem>>, vector<16xf32>,
        %mul3A_121 = arith.mulf %get3A_120, %broadcast_in_dim3A_79 : vector<16xf32>
        %swap3A_122 = arith.index_cast %add3A_83 : i32 to index
        %swap3A_123 = arith.constant 80 : index
        %swap3A_124 = tpu.vector_load %arg14[%swap3A_122, %swap3A_123] {strides = array<i32>} : memref<80x128xf32, #tpu.memory_space<vmem>>, vector<16xf32>,
        tpu.vector_store %arg14[%swap3A_122, %swap3A_123], %mul3A_121 {strides = array<i32>} : memref<80x128xf32, #tpu.memory_space<vmem>>, vector<16xf32>,
        %get3A_125 = arith.index_cast %add3A_83 : i32 to index
        %get3A_126 = arith.constant 96 : index
        %get3A_127 = tpu.vector_load %arg14[%get3A_125, %get3A_126] {strides = array<i32>} : memref<80x128xf32, #tpu.memory_space<vmem>>, vector<16xf32>,
        %mul3A_128 = arith.mulf %get3A_127, %broadcast_in_dim3A_79 : vector<16xf32>
        %swap3A_129 = arith.index_cast %add3A_83 : i32 to index
        %swap3A_130 = arith.constant 96 : index
        %swap3A_131 = tpu.vector_load %arg14[%swap3A_129, %swap3A_130] {strides = array<i32>} : memref<80x128xf32, #tpu.memory_space<vmem>>, vector<16xf32>,
        tpu.vector_store %arg14[%swap3A_129, %swap3A_130], %mul3A_128 {strides = array<i32>} : memref<80x128xf32, #tpu.memory_space<vmem>>, vector<16xf32>,
        %get3A_132 = arith.index_cast %add3A_83 : i32 to index
        %get3A_133 = arith.constant 112 : index
        %get3A_134 = tpu.vector_load %arg14[%get3A_132, %get3A_133] {strides = array<i32>} : memref<80x128xf32, #tpu.memory_space<vmem>>, vector<16xf32>,
        %mul3A_135 = arith.mulf %get3A_134, %broadcast_in_dim3A_79 : vector<16xf32>
        %swap3A_136 = arith.index_cast %add3A_83 : i32 to index
        %swap3A_137 = arith.constant 112 : index
        %swap3A_138 = tpu.vector_load %arg14[%swap3A_136, %swap3A_137] {strides = array<i32>} : memref<80x128xf32, #tpu.memory_space<vmem>>, vector<16xf32>,
        tpu.vector_store %arg14[%swap3A_136, %swap3A_137], %mul3A_135 {strides = array<i32>} : memref<80x128xf32, #tpu.memory_space<vmem>>, vector<16xf32>,
        %slice3A_139 = vector.extract_strided_slice %exp3A {offsets = [1], sizes = [1], strides = [1]} : vector<16xf32> to vector<1xf32>
        %squeeze3A_140 = vector.extract %slice3A_139[0] : f32 from vector<1xf32>
        %broadcast_in_dim3A_141 = vector.broadcast %squeeze3A_140 : f32 to vector<16xf32>
        %mul3A_142 = arith.constant 16 : i32
        %mul3A_143 = arith.muli %scan3A_66, %mul3A_142 : i32
        %add3A_144 = arith.constant 1 : i32
        %add3A_145 = arith.addi %mul3A_143, %add3A_144 : i32
        %get3A_146 = arith.index_cast %add3A_145 : i32 to index
        %get3A_147 = arith.constant 0 : index
        %get3A_148 = tpu.vector_load %arg14[%get3A_146, %get3A_147] {strides = array<i32>} : memref<80x128xf32, #tpu.memory_space<vmem>>, vector<16xf32>,
        %mul3A_149 = arith.mulf %get3A_148, %broadcast_in_dim3A_141 : vector<16xf32>
        %swap3A_150 = arith.index_cast %add3A_145 : i32 to index
        %swap3A_151 = arith.constant 0 : index
        %swap3A_152 = tpu.vector_load %arg14[%swap3A_150, %swap3A_151] {strides = array<i32>} : memref<80x128xf32, #tpu.memory_space<vmem>>, vector<16xf32>,
        tpu.vector_store %arg14[%swap3A_150, %swap3A_151], %mul3A_149 {strides = array<i32>} : memref<80x128xf32, #tpu.memory_space<vmem>>, vector<16xf32>,
        %get3A_153 = arith.index_cast %add3A_145 : i32 to index
        %get3A_154 = arith.constant 16 : index
        %get3A_155 = tpu.vector_load %arg14[%get3A_153, %get3A_154] {strides = array<i32>} : memref<80x128xf32, #tpu.memory_space<vmem>>, vector<16xf32>,
        %mul3A_156 = arith.mulf %get3A_155, %broadcast_in_dim3A_141 : vector<16xf32>
        %swap3A_157 = arith.index_cast %add3A_145 : i32 to index
        %swap3A_158 = arith.constant 16 : index
        %swap3A_159 = tpu.vector_load %arg14[%swap3A_157, %swap3A_158] {strides = array<i32>} : memref<80x128xf32, #tpu.memory_space<vmem>>, vector<16xf32>,
        tpu.vector_store %arg14[%swap3A_157, %swap3A_158], %mul3A_156 {strides = array<i32>} : memref<80x128xf32, #tpu.memory_space<vmem>>, vector<16xf32>,
        %get3A_160 = arith.index_cast %add3A_145 : i32 to index
        %get3A_161 = arith.constant 32 : index
        %get3A_162 = tpu.vector_load %arg14[%get3A_160, %get3A_161] {strides = array<i32>} : memref<80x128xf32, #tpu.memory_space<vmem>>, vector<16xf32>,
        %mul3A_163 = arith.mulf %get3A_162, %broadcast_in_dim3A_141 : vector<16xf32>
        %swap3A_164 = arith.index_cast %add3A_145 : i32 to index
        %swap3A_165 = arith.constant 32 : index
        %swap3A_166 = tpu.vector_load %arg14[%swap3A_164, %swap3A_165] {strides = array<i32>} : memref<80x128xf32, #tpu.memory_space<vmem>>, vector<16xf32>,
        tpu.vector_store %arg14[%swap3A_164, %swap3A_165], %mul3A_163 {strides = array<i32>} : memref<80x128xf32, #tpu.memory_space<vmem>>, vector<16xf32>,
        %get3A_167 = arith.index_cast %add3A_145 : i32 to index
        %get3A_168 = arith.constant 48 : index
        %get3A_169 = tpu.vector_load %arg14[%get3A_167, %get3A_168] {strides = array<i32>} : memref<80x128xf32, #tpu.memory_space<vmem>>, vector<16xf32>,
        %mul3A_170 = arith.mulf %get3A_169, %broadcast_in_dim3A_141 : vector<16xf32>
        %swap3A_171 = arith.index_cast %add3A_145 : i32 to index
        %swap3A_172 = arith.constant 48 : index
        %swap3A_173 = tpu.vector_load %arg14[%swap3A_171, %swap3A_172] {strides = array<i32>} : memref<80x128xf32, #tpu.memory_space<vmem>>, vector<16xf32>,
        tpu.vector_store %arg14[%swap3A_171, %swap3A_172], %mul3A_170 {strides = array<i32>} : memref<80x128xf32, #tpu.memory_space<vmem>>, vector<16xf32>,
        %get3A_174 = arith.index_cast %add3A_145 : i32 to index
        %get3A_175 = arith.constant 64 : index
        %get3A_176 = tpu.vector_load %arg14[%get3A_174, %get3A_175] {strides = array<i32>} : memref<80x128xf32, #tpu.memory_space<vmem>>, vector<16xf32>,
        %mul3A_177 = arith.mulf %get3A_176, %broadcast_in_dim3A_141 : vector<16xf32>
        %swap3A_178 = arith.index_cast %add3A_145 : i32 to index
        %swap3A_179 = arith.constant 64 : index
        %swap3A_180 = tpu.vector_load %arg14[%swap3A_178, %swap3A_179] {strides = array<i32>} : memref<80x128xf32, #tpu.memory_space<vmem>>, vector<16xf32>,
        tpu.vector_store %arg14[%swap3A_178, %swap3A_179], %mul3A_177 {strides = array<i32>} : memref<80x128xf32, #tpu.memory_space<vmem>>, vector<16xf32>,
        %get3A_181 = arith.index_cast %add3A_145 : i32 to index
        %get3A_182 = arith.constant 80 : index
        %get3A_183 = tpu.vector_load %arg14[%get3A_181, %get3A_182] {strides = array<i32>} : memref<80x128xf32, #tpu.memory_space<vmem>>, vector<16xf32>,
        %mul3A_184 = arith.mulf %get3A_183, %broadcast_in_dim3A_141 : vector<16xf32>
        %swap3A_185 = arith.index_cast %add3A_145 : i32 to index
        %swap3A_186 = arith.constant 80 : index
        %swap3A_187 = tpu.vector_load %arg14[%swap3A_185, %swap3A_186] {strides = array<i32>} : memref<80x128xf32, #tpu.memory_space<vmem>>, vector<16xf32>,
        tpu.vector_store %arg14[%swap3A_185, %swap3A_186], %mul3A_184 {strides = array<i32>} : memref<80x128xf32, #tpu.memory_space<vmem>>, vector<16xf32>,
        %get3A_188 = arith.index_cast %add3A_145 : i32 to index
        %get3A_189 = arith.constant 96 : index
        %get3A_190 = tpu.vector_load %arg14[%get3A_188, %get3A_189] {strides = array<i32>} : memref<80x128xf32, #tpu.memory_space<vmem>>, vector<16xf32>,
        %mul3A_191 = arith.mulf %get3A_190, %broadcast_in_dim3A_141 : vector<16xf32>
        %swap3A_192 = arith.index_cast %add3A_145 : i32 to index
        %swap3A_193 = arith.constant 96 : index
        %swap3A_194 = tpu.vector_load %arg14[%swap3A_192, %swap3A_193] {strides = array<i32>} : memref<80x128xf32, #tpu.memory_space<vmem>>, vector<16xf32>,
        tpu.vector_store %arg14[%swap3A_192, %swap3A_193], %mul3A_191 {strides = array<i32>} : memref<80x128xf32, #tpu.memory_space<vmem>>, vector<16xf32>,
        %get3A_195 = arith.index_cast %add3A_145 : i32 to index
        %get3A_196 = arith.constant 112 : index
        %get3A_197 = tpu.vector_load %arg14[%get3A_195, %get3A_196] {strides = array<i32>} : memref<80x128xf32, #tpu.memory_space<vmem>>, vector<16xf32>,
        %mul3A_198 = arith.mulf %get3A_197, %broadcast_in_dim3A_141 : vector<16xf32>
        %swap3A_199 = arith.index_cast %add3A_145 : i32 to index
        %swap3A_200 = arith.constant 112 : index
        %swap3A_201 = tpu.vector_load %arg14[%swap3A_199, %swap3A_200] {strides = array<i32>} : memref<80x128xf32, #tpu.memory_space<vmem>>, vector<16xf32>,
        tpu.vector_store %arg14[%swap3A_199, %swap3A_200], %mul3A_198 {strides = array<i32>} : memref<80x128xf32, #tpu.memory_space<vmem>>, vector<16xf32>,
        %slice3A_202 = vector.extract_strided_slice %exp3A {offsets = [2], sizes = [1], strides = [1]} : vector<16xf32> to vector<1xf32>
        %squeeze3A_203 = vector.extract %slice3A_202[0] : f32 from vector<1xf32>
        %broadcast_in_dim3A_204 = vector.broadcast %squeeze3A_203 : f32 to vector<16xf32>
        %mul3A_205 = arith.constant 16 : i32
        %mul3A_206 = arith.muli %scan3A_66, %mul3A_205 : i32
        %add3A_207 = arith.constant 2 : i32
        %add3A_208 = arith.addi %mul3A_206, %add3A_207 : i32
        %get3A_209 = arith.index_cast %add3A_208 : i32 to index
        %get3A_210 = arith.constant 0 : index
        %get3A_211 = tpu.vector_load %arg14[%get3A_209, %get3A_210] {strides = array<i32>} : memref<80x128xf32, #tpu.memory_space<vmem>>, vector<16xf32>,
        %mul3A_212 = arith.mulf %get3A_211, %broadcast_in_dim3A_204 : vector<16xf32>
        %swap3A_213 = arith.index_cast %add3A_208 : i32 to index
        %swap3A_214 = arith.constant 0 : index
        %swap3A_215 = tpu.vector_load %arg14[%swap3A_213, %swap3A_214] {strides = array<i32>} : memref<80x128xf32, #tpu.memory_space<vmem>>, vector<16xf32>,
        tpu.vector_store %arg14[%swap3A_213, %swap3A_214], %mul3A_212 {strides = array<i32>} : memref<80x128xf32, #tpu.memory_space<vmem>>, vector<16xf32>,
        %get3A_216 = arith.index_cast %add3A_208 : i32 to index
        %get3A_217 = arith.constant 16 : index
        %get3A_218 = tpu.vector_load %arg14[%get3A_216, %get3A_217] {strides = array<i32>} : memref<80x128xf32, #tpu.memory_space<vmem>>, vector<16xf32>,
        %mul3A_219 = arith.mulf %get3A_218, %broadcast_in_dim3A_204 : vector<16xf32>
        %swap3A_220 = arith.index_cast %add3A_208 : i32 to index
        %swap3A_221 = arith.constant 16 : index
        %swap3A_222 = tpu.vector_load %arg14[%swap3A_220, %swap3A_221] {strides = array<i32>} : memref<80x128xf32, #tpu.memory_space<vmem>>, vector<16xf32>,
        tpu.vector_store %arg14[%swap3A_220, %swap3A_221], %mul3A_219 {strides = array<i32>} : memref<80x128xf32, #tpu.memory_space<vmem>>, vector<16xf32>,
        %get3A_223 = arith.index_cast %add3A_208 : i32 to index
        %get3A_224 = arith.constant 32 : index
        %get3A_225 = tpu.vector_load %arg14[%get3A_223, %get3A_224] {strides = array<i32>} : memref<80x128xf32, #tpu.memory_space<vmem>>, vector<16xf32>,
        %mul3A_226 = arith.mulf %get3A_225, %broadcast_in_dim3A_204 : vector<16xf32>
        %swap3A_227 = arith.index_cast %add3A_208 : i32 to index
        %swap3A_228 = arith.constant 32 : index
        %swap3A_229 = tpu.vector_load %arg14[%swap3A_227, %swap3A_228] {strides = array<i32>} : memref<80x128xf32, #tpu.memory_space<vmem>>, vector<16xf32>,
        tpu.vector_store %arg14[%swap3A_227, %swap3A_228], %mul3A_226 {strides = array<i32>} : memref<80x128xf32, #tpu.memory_space<vmem>>, vector<16xf32>,
        %get3A_230 = arith.index_cast %add3A_208 : i32 to index
        %get3A_231 = arith.constant 48 : index
        %get3A_232 = tpu.vector_load %arg14[%get3A_230, %get3A_231] {strides = array<i32>} : memref<80x128xf32, #tpu.memory_space<vmem>>, vector<16xf32>,
        %mul3A_233 = arith.mulf %get3A_232, %broadcast_in_dim3A_204 : vector<16xf32>
        %swap3A_234 = arith.index_cast %add3A_208 : i32 to index
        %swap3A_235 = arith.constant 48 : index
        %swap3A_236 = tpu.vector_load %arg14[%swap3A_234, %swap3A_235] {strides = array<i32>} : memref<80x128xf32, #tpu.memory_space<vmem>>, vector<16xf32>,
        tpu.vector_store %arg14[%swap3A_234, %swap3A_235], %mul3A_233 {strides = array<i32>} : memref<80x128xf32, #tpu.memory_space<vmem>>, vector<16xf32>,
        %get3A_237 = arith.index_cast %add3A_208 : i32 to index
        %get3A_238 = arith.constant 64 : index
        %get3A_239 = tpu.vector_load %arg14[%get3A_237, %get3A_238] {strides = array<i32>} : memref<80x128xf32, #tpu.memory_space<vmem>>, vector<16xf32>,
        %mul3A_240 = arith.mulf %get3A_239, %broadcast_in_dim3A_204 : vector<16xf32>
        %swap3A_241 = arith.index_cast %add3A_208 : i32 to index
        %swap3A_242 = arith.constant 64 : index
        %swap3A_243 = tpu.vector_load %arg14[%swap3A_241, %swap3A_242] {strides = array<i32>} : memref<80x128xf32, #tpu.memory_space<vmem>>, vector<16xf32>,
        tpu.vector_store %arg14[%swap3A_241, %swap3A_242], %mul3A_240 {strides = array<i32>} : memref<80x128xf32, #tpu.memory_space<vmem>>, vector<16xf32>,
        %get3A_244 = arith.index_cast %add3A_208 : i32 to index
        %get3A_245 = arith.constant 80 : index
        %get3A_246 = tpu.vector_load %arg14[%get3A_244, %get3A_245] {strides = array<i32>} : memref<80x128xf32, #tpu.memory_space<vmem>>, vector<16xf32>,
        %mul3A_247 = arith.mulf %get3A_246, %broadcast_in_dim3A_204 : vector<16xf32>
        %swap3A_248 = arith.index_cast %add3A_208 : i32 to index
        %swap3A_249 = arith.constant 80 : index
        %swap3A_250 = tpu.vector_load %arg14[%swap3A_248, %swap3A_249] {strides = array<i32>} : memref<80x128xf32, #tpu.memory_space<vmem>>, vector<16xf32>,
        tpu.vector_store %arg14[%swap3A_248, %swap3A_249], %mul3A_247 {strides = array<i32>} : memref<80x128xf32, #tpu.memory_space<vmem>>, vector<16xf32>,
        %get3A_251 = arith.index_cast %add3A_208 : i32 to index
        %get3A_252 = arith.constant 96 : index
        %get3A_253 = tpu.vector_load %arg14[%get3A_251, %get3A_252] {strides = array<i32>} : memref<80x128xf32, #tpu.memory_space<vmem>>, vector<16xf32>,
        %mul3A_254 = arith.mulf %get3A_253, %broadcast_in_dim3A_204 : vector<16xf32>
        %swap3A_255 = arith.index_cast %add3A_208 : i32 to index
        %swap3A_256 = arith.constant 96 : index
        %swap3A_257 = tpu.vector_load %arg14[%swap3A_255, %swap3A_256] {strides = array<i32>} : memref<80x128xf32, #tpu.memory_space<vmem>>, vector<16xf32>,
        tpu.vector_store %arg14[%swap3A_255, %swap3A_256], %mul3A_254 {strides = array<i32>} : memref<80x128xf32, #tpu.memory_space<vmem>>, vector<16xf32>,
        %get3A_258 = arith.index_cast %add3A_208 : i32 to index
        %get3A_259 = arith.constant 112 : index
        %get3A_260 = tpu.vector_load %arg14[%get3A_258, %get3A_259] {strides = array<i32>} : memref<80x128xf32, #tpu.memory_space<vmem>>, vector<16xf32>,
        %mul3A_261 = arith.mulf %get3A_260, %broadcast_in_dim3A_204 : vector<16xf32>
        %swap3A_262 = arith.index_cast %add3A_208 : i32 to index
        %swap3A_263 = arith.constant 112 : index
        %swap3A_264 = tpu.vector_load %arg14[%swap3A_262, %swap3A_263] {strides = array<i32>} : memref<80x128xf32, #tpu.memory_space<vmem>>, vector<16xf32>,
        tpu.vector_store %arg14[%swap3A_262, %swap3A_263], %mul3A_261 {strides = array<i32>} : memref<80x128xf32, #tpu.memory_space<vmem>>, vector<16xf32>,
        %slice3A_265 = vector.extract_strided_slice %exp3A {offsets = [3], sizes = [1], strides = [1]} : vector<16xf32> to vector<1xf32>
        %squeeze3A_266 = vector.extract %slice3A_265[0] : f32 from vector<1xf32>
        %broadcast_in_dim3A_267 = vector.broadcast %squeeze3A_266 : f32 to vector<16xf32>
        %mul3A_268 = arith.constant 16 : i32
        %mul3A_269 = arith.muli %scan3A_66, %mul3A_268 : i32
        %add3A_270 = arith.constant 3 : i32
        %add3A_271 = arith.addi %mul3A_269, %add3A_270 : i32
        %get3A_272 = arith.index_cast %add3A_271 : i32 to index
        %get3A_273 = arith.constant 0 : index
        %get3A_274 = tpu.vector_load %arg14[%get3A_272, %get3A_273] {strides = array<i32>} : memref<80x128xf32, #tpu.memory_space<vmem>>, vector<16xf32>,
        %mul3A_275 = arith.mulf %get3A_274, %broadcast_in_dim3A_267 : vector<16xf32>
        %swap3A_276 = arith.index_cast %add3A_271 : i32 to index
        %swap3A_277 = arith.constant 0 : index
        %swap3A_278 = tpu.vector_load %arg14[%swap3A_276, %swap3A_277] {strides = array<i32>} : memref<80x128xf32, #tpu.memory_space<vmem>>, vector<16xf32>,
        tpu.vector_store %arg14[%swap3A_276, %swap3A_277], %mul3A_275 {strides = array<i32>} : memref<80x128xf32, #tpu.memory_space<vmem>>, vector<16xf32>,
        %get3A_279 = arith.index_cast %add3A_271 : i32 to index
        %get3A_280 = arith.constant 16 : index
        %get3A_281 = tpu.vector_load %arg14[%get3A_279, %get3A_280] {strides = array<i32>} : memref<80x128xf32, #tpu.memory_space<vmem>>, vector<16xf32>,
        %mul3A_282 = arith.mulf %get3A_281, %broadcast_in_dim3A_267 : vector<16xf32>
        %swap3A_283 = arith.index_cast %add3A_271 : i32 to index
        %swap3A_284 = arith.constant 16 : index
        %swap3A_285 = tpu.vector_load %arg14[%swap3A_283, %swap3A_284] {strides = array<i32>} : memref<80x128xf32, #tpu.memory_space<vmem>>, vector<16xf32>,
        tpu.vector_store %arg14[%swap3A_283, %swap3A_284], %mul3A_282 {strides = array<i32>} : memref<80x128xf32, #tpu.memory_space<vmem>>, vector<16xf32>,
        %get3A_286 = arith.index_cast %add3A_271 : i32 to index
        %get3A_287 = arith.constant 32 : index
        %get3A_288 = tpu.vector_load %arg14[%get3A_286, %get3A_287] {strides = array<i32>} : memref<80x128xf32, #tpu.memory_space<vmem>>, vector<16xf32>,
        %mul3A_289 = arith.mulf %get3A_288, %broadcast_in_dim3A_267 : vector<16xf32>
        %swap3A_290 = arith.index_cast %add3A_271 : i32 to index
        %swap3A_291 = arith.constant 32 : index
        %swap3A_292 = tpu.vector_load %arg14[%swap3A_290, %swap3A_291] {strides = array<i32>} : memref<80x128xf32, #tpu.memory_space<vmem>>, vector<16xf32>,
        tpu.vector_store %arg14[%swap3A_290, %swap3A_291], %mul3A_289 {strides = array<i32>} : memref<80x128xf32, #tpu.memory_space<vmem>>, vector<16xf32>,
        %get3A_293 = arith.index_cast %add3A_271 : i32 to index
        %get3A_294 = arith.constant 48 : index
        %get3A_295 = tpu.vector_load %arg14[%get3A_293, %get3A_294] {strides = array<i32>} : memref<80x128xf32, #tpu.memory_space<vmem>>, vector<16xf32>,
        %mul3A_296 = arith.mulf %get3A_295, %broadcast_in_dim3A_267 : vector<16xf32>
        %swap3A_297 = arith.index_cast %add3A_271 : i32 to index
        %swap3A_298 = arith.constant 48 : index
        %swap3A_299 = tpu.vector_load %arg14[%swap3A_297, %swap3A_298] {strides = array<i32>} : memref<80x128xf32, #tpu.memory_space<vmem>>, vector<16xf32>,
        tpu.vector_store %arg14[%swap3A_297, %swap3A_298], %mul3A_296 {strides = array<i32>} : memref<80x128xf32, #tpu.memory_space<vmem>>, vector<16xf32>,
        %get3A_300 = arith.index_cast %add3A_271 : i32 to index
        %get3A_301 = arith.constant 64 : index
        %get3A_302 = tpu.vector_load %arg14[%get3A_300, %get3A_301] {strides = array<i32>} : memref<80x128xf32, #tpu.memory_space<vmem>>, vector<16xf32>,
        %mul3A_303 = arith.mulf %get3A_302, %broadcast_in_dim3A_267 : vector<16xf32>
        %swap3A_304 = arith.index_cast %add3A_271 : i32 to index
        %swap3A_305 = arith.constant 64 : index
        %swap3A_306 = tpu.vector_load %arg14[%swap3A_304, %swap3A_305] {strides = array<i32>} : memref<80x128xf32, #tpu.memory_space<vmem>>, vector<16xf32>,
        tpu.vector_store %arg14[%swap3A_304, %swap3A_305], %mul3A_303 {strides = array<i32>} : memref<80x128xf32, #tpu.memory_space<vmem>>, vector<16xf32>,
        %get3A_307 = arith.index_cast %add3A_271 : i32 to index
        %get3A_308 = arith.constant 80 : index
        %get3A_309 = tpu.vector_load %arg14[%get3A_307, %get3A_308] {strides = array<i32>} : memref<80x128xf32, #tpu.memory_space<vmem>>, vector<16xf32>,
        %mul3A_310 = arith.mulf %get3A_309, %broadcast_in_dim3A_267 : vector<16xf32>
        %swap3A_311 = arith.index_cast %add3A_271 : i32 to index
        %swap3A_312 = arith.constant 80 : index
        %swap3A_313 = tpu.vector_load %arg14[%swap3A_311, %swap3A_312] {strides = array<i32>} : memref<80x128xf32, #tpu.memory_space<vmem>>, vector<16xf32>,
        tpu.vector_store %arg14[%swap3A_311, %swap3A_312], %mul3A_310 {strides = array<i32>} : memref<80x128xf32, #tpu.memory_space<vmem>>, vector<16xf32>,
        %get3A_314 = arith.index_cast %add3A_271 : i32 to index
        %get3A_315 = arith.constant 96 : index
        %get3A_316 = tpu.vector_load %arg14[%get3A_314, %get3A_315] {strides = array<i32>} : memref<80x128xf32, #tpu.memory_space<vmem>>, vector<16xf32>,
        %mul3A_317 = arith.mulf %get3A_316, %broadcast_in_dim3A_267 : vector<16xf32>
        %swap3A_318 = arith.index_cast %add3A_271 : i32 to index
        %swap3A_319 = arith.constant 96 : index
        %swap3A_320 = tpu.vector_load %arg14[%swap3A_318, %swap3A_319] {strides = array<i32>} : memref<80x128xf32, #tpu.memory_space<vmem>>, vector<16xf32>,
        tpu.vector_store %arg14[%swap3A_318, %swap3A_319], %mul3A_317 {strides = array<i32>} : memref<80x128xf32, #tpu.memory_space<vmem>>, vector<16xf32>,
        %get3A_321 = arith.index_cast %add3A_271 : i32 to index
        %get3A_322 = arith.constant 112 : index
        %get3A_323 = tpu.vector_load %arg14[%get3A_321, %get3A_322] {strides = array<i32>} : memref<80x128xf32, #tpu.memory_space<vmem>>, vector<16xf32>,
        %mul3A_324 = arith.mulf %get3A_323, %broadcast_in_dim3A_267 : vector<16xf32>
        %swap3A_325 = arith.index_cast %add3A_271 : i32 to index
        %swap3A_326 = arith.constant 112 : index
        %swap3A_327 = tpu.vector_load %arg14[%swap3A_325, %swap3A_326] {strides = array<i32>} : memref<80x128xf32, #tpu.memory_space<vmem>>, vector<16xf32>,
        tpu.vector_store %arg14[%swap3A_325, %swap3A_326], %mul3A_324 {strides = array<i32>} : memref<80x128xf32, #tpu.memory_space<vmem>>, vector<16xf32>,
        %slice3A_328 = vector.extract_strided_slice %exp3A {offsets = [4], sizes = [1], strides = [1]} : vector<16xf32> to vector<1xf32>
        %squeeze3A_329 = vector.extract %slice3A_328[0] : f32 from vector<1xf32>
        %broadcast_in_dim3A_330 = vector.broadcast %squeeze3A_329 : f32 to vector<16xf32>
        %mul3A_331 = arith.constant 16 : i32
        %mul3A_332 = arith.muli %scan3A_66, %mul3A_331 : i32
        %add3A_333 = arith.constant 4 : i32
        %add3A_334 = arith.addi %mul3A_332, %add3A_333 : i32
        %get3A_335 = arith.index_cast %add3A_334 : i32 to index
        %get3A_336 = arith.constant 0 : index
        %get3A_337 = tpu.vector_load %arg14[%get3A_335, %get3A_336] {strides = array<i32>} : memref<80x128xf32, #tpu.memory_space<vmem>>, vector<16xf32>,
        %mul3A_338 = arith.mulf %get3A_337, %broadcast_in_dim3A_330 : vector<16xf32>
        %swap3A_339 = arith.index_cast %add3A_334 : i32 to index
        %swap3A_340 = arith.constant 0 : index
        %swap3A_341 = tpu.vector_load %arg14[%swap3A_339, %swap3A_340] {strides = array<i32>} : memref<80x128xf32, #tpu.memory_space<vmem>>, vector<16xf32>,
        tpu.vector_store %arg14[%swap3A_339, %swap3A_340], %mul3A_338 {strides = array<i32>} : memref<80x128xf32, #tpu.memory_space<vmem>>, vector<16xf32>,
        %get3A_342 = arith.index_cast %add3A_334 : i32 to index
        %get3A_343 = arith.constant 16 : index
        %get3A_344 = tpu.vector_load %arg14[%get3A_342, %get3A_343] {strides = array<i32>} : memref<80x128xf32, #tpu.memory_space<vmem>>, vector<16xf32>,
        %mul3A_345 = arith.mulf %get3A_344, %broadcast_in_dim3A_330 : vector<16xf32>
        %swap3A_346 = arith.index_cast %add3A_334 : i32 to index
        %swap3A_347 = arith.constant 16 : index
        %swap3A_348 = tpu.vector_load %arg14[%swap3A_346, %swap3A_347] {strides = array<i32>} : memref<80x128xf32, #tpu.memory_space<vmem>>, vector<16xf32>,
        tpu.vector_store %arg14[%swap3A_346, %swap3A_347], %mul3A_345 {strides = array<i32>} : memref<80x128xf32, #tpu.memory_space<vmem>>, vector<16xf32>,
        %get3A_349 = arith.index_cast %add3A_334 : i32 to index
        %get3A_350 = arith.constant 32 : index
        %get3A_351 = tpu.vector_load %arg14[%get3A_349, %get3A_350] {strides = array<i32>} : memref<80x128xf32, #tpu.memory_space<vmem>>, vector<16xf32>,
        %mul3A_352 = arith.mulf %get3A_351, %broadcast_in_dim3A_330 : vector<16xf32>
        %swap3A_353 = arith.index_cast %add3A_334 : i32 to index
        %swap3A_354 = arith.constant 32 : index
        %swap3A_355 = tpu.vector_load %arg14[%swap3A_353, %swap3A_354] {strides = array<i32>} : memref<80x128xf32, #tpu.memory_space<vmem>>, vector<16xf32>,
        tpu.vector_store %arg14[%swap3A_353, %swap3A_354], %mul3A_352 {strides = array<i32>} : memref<80x128xf32, #tpu.memory_space<vmem>>, vector<16xf32>,
        %get3A_356 = arith.index_cast %add3A_334 : i32 to index
        %get3A_357 = arith.constant 48 : index
        %get3A_358 = tpu.vector_load %arg14[%get3A_356, %get3A_357] {strides = array<i32>} : memref<80x128xf32, #tpu.memory_space<vmem>>, vector<16xf32>,
        %mul3A_359 = arith.mulf %get3A_358, %broadcast_in_dim3A_330 : vector<16xf32>
        %swap3A_360 = arith.index_cast %add3A_334 : i32 to index
        %swap3A_361 = arith.constant 48 : index
        %swap3A_362 = tpu.vector_load %arg14[%swap3A_360, %swap3A_361] {strides = array<i32>} : memref<80x128xf32, #tpu.memory_space<vmem>>, vector<16xf32>,
        tpu.vector_store %arg14[%swap3A_360, %swap3A_361], %mul3A_359 {strides = array<i32>} : memref<80x128xf32, #tpu.memory_space<vmem>>, vector<16xf32>,
        %get3A_363 = arith.index_cast %add3A_334 : i32 to index
        %get3A_364 = arith.constant 64 : index
        %get3A_365 = tpu.vector_load %arg14[%get3A_363, %get3A_364] {strides = array<i32>} : memref<80x128xf32, #tpu.memory_space<vmem>>, vector<16xf32>,
        %mul3A_366 = arith.mulf %get3A_365, %broadcast_in_dim3A_330 : vector<16xf32>
        %swap3A_367 = arith.index_cast %add3A_334 : i32 to index
        %swap3A_368 = arith.constant 64 : index
        %swap3A_369 = tpu.vector_load %arg14[%swap3A_367, %swap3A_368] {strides = array<i32>} : memref<80x128xf32, #tpu.memory_space<vmem>>, vector<16xf32>,
        tpu.vector_store %arg14[%swap3A_367, %swap3A_368], %mul3A_366 {strides = array<i32>} : memref<80x128xf32, #tpu.memory_space<vmem>>, vector<16xf32>,
        %get3A_370 = arith.index_cast %add3A_334 : i32 to index
        %get3A_371 = arith.constant 80 : index
        %get3A_372 = tpu.vector_load %arg14[%get3A_370, %get3A_371] {strides = array<i32>} : memref<80x128xf32, #tpu.memory_space<vmem>>, vector<16xf32>,
        %mul3A_373 = arith.mulf %get3A_372, %broadcast_in_dim3A_330 : vector<16xf32>
        %swap3A_374 = arith.index_cast %add3A_334 : i32 to index
        %swap3A_375 = arith.constant 80 : index
        %swap3A_376 = tpu.vector_load %arg14[%swap3A_374, %swap3A_375] {strides = array<i32>} : memref<80x128xf32, #tpu.memory_space<vmem>>, vector<16xf32>,
        tpu.vector_store %arg14[%swap3A_374, %swap3A_375], %mul3A_373 {strides = array<i32>} : memref<80x128xf32, #tpu.memory_space<vmem>>, vector<16xf32>,
        %get3A_377 = arith.index_cast %add3A_334 : i32 to index
        %get3A_378 = arith.constant 96 : index
        %get3A_379 = tpu.vector_load %arg14[%get3A_377, %get3A_378] {strides = array<i32>} : memref<80x128xf32, #tpu.memory_space<vmem>>, vector<16xf32>,
        %mul3A_380 = arith.mulf %get3A_379, %broadcast_in_dim3A_330 : vector<16xf32>
        %swap3A_381 = arith.index_cast %add3A_334 : i32 to index
        %swap3A_382 = arith.constant 96 : index
        %swap3A_383 = tpu.vector_load %arg14[%swap3A_381, %swap3A_382] {strides = array<i32>} : memref<80x128xf32, #tpu.memory_space<vmem>>, vector<16xf32>,
        tpu.vector_store %arg14[%swap3A_381, %swap3A_382], %mul3A_380 {strides = array<i32>} : memref<80x128xf32, #tpu.memory_space<vmem>>, vector<16xf32>,
        %get3A_384 = arith.index_cast %add3A_334 : i32 to index
        %get3A_385 = arith.constant 112 : index
        %get3A_386 = tpu.vector_load %arg14[%get3A_384, %get3A_385] {strides = array<i32>} : memref<80x128xf32, #tpu.memory_space<vmem>>, vector<16xf32>,
        %mul3A_387 = arith.mulf %get3A_386, %broadcast_in_dim3A_330 : vector<16xf32>
        %swap3A_388 = arith.index_cast %add3A_334 : i32 to index
        %swap3A_389 = arith.constant 112 : index
        %swap3A_390 = tpu.vector_load %arg14[%swap3A_388, %swap3A_389] {strides = array<i32>} : memref<80x128xf32, #tpu.memory_space<vmem>>, vector<16xf32>,
        tpu.vector_store %arg14[%swap3A_388, %swap3A_389], %mul3A_387 {strides = array<i32>} : memref<80x128xf32, #tpu.memory_space<vmem>>, vector<16xf32>,
        %slice3A_391 = vector.extract_strided_slice %exp3A {offsets = [5], sizes = [1], strides = [1]} : vector<16xf32> to vector<1xf32>
        %squeeze3A_392 = vector.extract %slice3A_391[0] : f32 from vector<1xf32>
        %broadcast_in_dim3A_393 = vector.broadcast %squeeze3A_392 : f32 to vector<16xf32>
        %mul3A_394 = arith.constant 16 : i32
        %mul3A_395 = arith.muli %scan3A_66, %mul3A_394 : i32
        %add3A_396 = arith.constant 5 : i32
        %add3A_397 = arith.addi %mul3A_395, %add3A_396 : i32
        %get3A_398 = arith.index_cast %add3A_397 : i32 to index
        %get3A_399 = arith.constant 0 : index
        %get3A_400 = tpu.vector_load %arg14[%get3A_398, %get3A_399] {strides = array<i32>} : memref<80x128xf32, #tpu.memory_space<vmem>>, vector<16xf32>,
        %mul3A_401 = arith.mulf %get3A_400, %broadcast_in_dim3A_393 : vector<16xf32>
        %swap3A_402 = arith.index_cast %add3A_397 : i32 to index
        %swap3A_403 = arith.constant 0 : index
        %swap3A_404 = tpu.vector_load %arg14[%swap3A_402, %swap3A_403] {strides = array<i32>} : memref<80x128xf32, #tpu.memory_space<vmem>>, vector<16xf32>,
        tpu.vector_store %arg14[%swap3A_402, %swap3A_403], %mul3A_401 {strides = array<i32>} : memref<80x128xf32, #tpu.memory_space<vmem>>, vector<16xf32>,
        %get3A_405 = arith.index_cast %add3A_397 : i32 to index
        %get3A_406 = arith.constant 16 : index
        %get3A_407 = tpu.vector_load %arg14[%get3A_405, %get3A_406] {strides = array<i32>} : memref<80x128xf32, #tpu.memory_space<vmem>>, vector<16xf32>,
        %mul3A_408 = arith.mulf %get3A_407, %broadcast_in_dim3A_393 : vector<16xf32>
        %swap3A_409 = arith.index_cast %add3A_397 : i32 to index
        %swap3A_410 = arith.constant 16 : index
        %swap3A_411 = tpu.vector_load %arg14[%swap3A_409, %swap3A_410] {strides = array<i32>} : memref<80x128xf32, #tpu.memory_space<vmem>>, vector<16xf32>,
        tpu.vector_store %arg14[%swap3A_409, %swap3A_410], %mul3A_408 {strides = array<i32>} : memref<80x128xf32, #tpu.memory_space<vmem>>, vector<16xf32>,
        %get3A_412 = arith.index_cast %add3A_397 : i32 to index
        %get3A_413 = arith.constant 32 : index
        %get3A_414 = tpu.vector_load %arg14[%get3A_412, %get3A_413] {strides = array<i32>} : memref<80x128xf32, #tpu.memory_space<vmem>>, vector<16xf32>,
        %mul3A_415 = arith.mulf %get3A_414, %broadcast_in_dim3A_393 : vector<16xf32>
        %swap3A_416 = arith.index_cast %add3A_397 : i32 to index
        %swap3A_417 = arith.constant 32 : index
        %swap3A_418 = tpu.vector_load %arg14[%swap3A_416, %swap3A_417] {strides = array<i32>} : memref<80x128xf32, #tpu.memory_space<vmem>>, vector<16xf32>,
        tpu.vector_store %arg14[%swap3A_416, %swap3A_417], %mul3A_415 {strides = array<i32>} : memref<80x128xf32, #tpu.memory_space<vmem>>, vector<16xf32>,
        %get3A_419 = arith.index_cast %add3A_397 : i32 to index
        %get3A_420 = arith.constant 48 : index
        %get3A_421 = tpu.vector_load %arg14[%get3A_419, %get3A_420] {strides = array<i32>} : memref<80x128xf32, #tpu.memory_space<vmem>>, vector<16xf32>,
        %mul3A_422 = arith.mulf %get3A_421, %broadcast_in_dim3A_393 : vector<16xf32>
        %swap3A_423 = arith.index_cast %add3A_397 : i32 to index
        %swap3A_424 = arith.constant 48 : index
        %swap3A_425 = tpu.vector_load %arg14[%swap3A_423, %swap3A_424] {strides = array<i32>} : memref<80x128xf32, #tpu.memory_space<vmem>>, vector<16xf32>,
        tpu.vector_store %arg14[%swap3A_423, %swap3A_424], %mul3A_422 {strides = array<i32>} : memref<80x128xf32, #tpu.memory_space<vmem>>, vector<16xf32>,
        %get3A_426 = arith.index_cast %add3A_397 : i32 to index
        %get3A_427 = arith.constant 64 : index
        %get3A_428 = tpu.vector_load %arg14[%get3A_426, %get3A_427] {strides = array<i32>} : memref<80x128xf32, #tpu.memory_space<vmem>>, vector<16xf32>,
        %mul3A_429 = arith.mulf %get3A_428, %broadcast_in_dim3A_393 : vector<16xf32>
        %swap3A_430 = arith.index_cast %add3A_397 : i32 to index
        %swap3A_431 = arith.constant 64 : index
        %swap3A_432 = tpu.vector_load %arg14[%swap3A_430, %swap3A_431] {strides = array<i32>} : memref<80x128xf32, #tpu.memory_space<vmem>>, vector<16xf32>,
        tpu.vector_store %arg14[%swap3A_430, %swap3A_431], %mul3A_429 {strides = array<i32>} : memref<80x128xf32, #tpu.memory_space<vmem>>, vector<16xf32>,
        %get3A_433 = arith.index_cast %add3A_397 : i32 to index
        %get3A_434 = arith.constant 80 : index
        %get3A_435 = tpu.vector_load %arg14[%get3A_433, %get3A_434] {strides = array<i32>} : memref<80x128xf32, #tpu.memory_space<vmem>>, vector<16xf32>,
        %mul3A_436 = arith.mulf %get3A_435, %broadcast_in_dim3A_393 : vector<16xf32>
        %swap3A_437 = arith.index_cast %add3A_397 : i32 to index
        %swap3A_438 = arith.constant 80 : index
        %swap3A_439 = tpu.vector_load %arg14[%swap3A_437, %swap3A_438] {strides = array<i32>} : memref<80x128xf32, #tpu.memory_space<vmem>>, vector<16xf32>,
        tpu.vector_store %arg14[%swap3A_437, %swap3A_438], %mul3A_436 {strides = array<i32>} : memref<80x128xf32, #tpu.memory_space<vmem>>, vector<16xf32>,
        %get3A_440 = arith.index_cast %add3A_397 : i32 to index
        %get3A_441 = arith.constant 96 : index
        %get3A_442 = tpu.vector_load %arg14[%get3A_440, %get3A_441] {strides = array<i32>} : memref<80x128xf32, #tpu.memory_space<vmem>>, vector<16xf32>,
        %mul3A_443 = arith.mulf %get3A_442, %broadcast_in_dim3A_393 : vector<16xf32>
        %swap3A_444 = arith.index_cast %add3A_397 : i32 to index
        %swap3A_445 = arith.constant 96 : index
        %swap3A_446 = tpu.vector_load %arg14[%swap3A_444, %swap3A_445] {strides = array<i32>} : memref<80x128xf32, #tpu.memory_space<vmem>>, vector<16xf32>,
        tpu.vector_store %arg14[%swap3A_444, %swap3A_445], %mul3A_443 {strides = array<i32>} : memref<80x128xf32, #tpu.memory_space<vmem>>, vector<16xf32>,
        %get3A_447 = arith.index_cast %add3A_397 : i32 to index
        %get3A_448 = arith.constant 112 : index
        %get3A_449 = tpu.vector_load %arg14[%get3A_447, %get3A_448] {strides = array<i32>} : memref<80x128xf32, #tpu.memory_space<vmem>>, vector<16xf32>,
        %mul3A_450 = arith.mulf %get3A_449, %broadcast_in_dim3A_393 : vector<16xf32>
        %swap3A_451 = arith.index_cast %add3A_397 : i32 to index
        %swap3A_452 = arith.constant 112 : index
        %swap3A_453 = tpu.vector_load %arg14[%swap3A_451, %swap3A_452] {strides = array<i32>} : memref<80x128xf32, #tpu.memory_space<vmem>>, vector<16xf32>,
        tpu.vector_store %arg14[%swap3A_451, %swap3A_452], %mul3A_450 {strides = array<i32>} : memref<80x128xf32, #tpu.memory_space<vmem>>, vector<16xf32>,
        %slice3A_454 = vector.extract_strided_slice %exp3A {offsets = [6], sizes = [1], strides = [1]} : vector<16xf32> to vector<1xf32>
        %squeeze3A_455 = vector.extract %slice3A_454[0] : f32 from vector<1xf32>
        %broadcast_in_dim3A_456 = vector.broadcast %squeeze3A_455 : f32 to vector<16xf32>
        %mul3A_457 = arith.constant 16 : i32
        %mul3A_458 = arith.muli %scan3A_66, %mul3A_457 : i32
        %add3A_459 = arith.constant 6 : i32
        %add3A_460 = arith.addi %mul3A_458, %add3A_459 : i32
        %get3A_461 = arith.index_cast %add3A_460 : i32 to index
        %get3A_462 = arith.constant 0 : index
        %get3A_463 = tpu.vector_load %arg14[%get3A_461, %get3A_462] {strides = array<i32>} : memref<80x128xf32, #tpu.memory_space<vmem>>, vector<16xf32>,
        %mul3A_464 = arith.mulf %get3A_463, %broadcast_in_dim3A_456 : vector<16xf32>
        %swap3A_465 = arith.index_cast %add3A_460 : i32 to index
        %swap3A_466 = arith.constant 0 : index
        %swap3A_467 = tpu.vector_load %arg14[%swap3A_465, %swap3A_466] {strides = array<i32>} : memref<80x128xf32, #tpu.memory_space<vmem>>, vector<16xf32>,
        tpu.vector_store %arg14[%swap3A_465, %swap3A_466], %mul3A_464 {strides = array<i32>} : memref<80x128xf32, #tpu.memory_space<vmem>>, vector<16xf32>,
        %get3A_468 = arith.index_cast %add3A_460 : i32 to index
        %get3A_469 = arith.constant 16 : index
        %get3A_470 = tpu.vector_load %arg14[%get3A_468, %get3A_469] {strides = array<i32>} : memref<80x128xf32, #tpu.memory_space<vmem>>, vector<16xf32>,
        %mul3A_471 = arith.mulf %get3A_470, %broadcast_in_dim3A_456 : vector<16xf32>
        %swap3A_472 = arith.index_cast %add3A_460 : i32 to index
        %swap3A_473 = arith.constant 16 : index
        %swap3A_474 = tpu.vector_load %arg14[%swap3A_472, %swap3A_473] {strides = array<i32>} : memref<80x128xf32, #tpu.memory_space<vmem>>, vector<16xf32>,
        tpu.vector_store %arg14[%swap3A_472, %swap3A_473], %mul3A_471 {strides = array<i32>} : memref<80x128xf32, #tpu.memory_space<vmem>>, vector<16xf32>,
        %get3A_475 = arith.index_cast %add3A_460 : i32 to index
        %get3A_476 = arith.constant 32 : index
        %get3A_477 = tpu.vector_load %arg14[%get3A_475, %get3A_476] {strides = array<i32>} : memref<80x128xf32, #tpu.memory_space<vmem>>, vector<16xf32>,
        %mul3A_478 = arith.mulf %get3A_477, %broadcast_in_dim3A_456 : vector<16xf32>
        %swap3A_479 = arith.index_cast %add3A_460 : i32 to index
        %swap3A_480 = arith.constant 32 : index
        %swap3A_481 = tpu.vector_load %arg14[%swap3A_479, %swap3A_480] {strides = array<i32>} : memref<80x128xf32, #tpu.memory_space<vmem>>, vector<16xf32>,
        tpu.vector_store %arg14[%swap3A_479, %swap3A_480], %mul3A_478 {strides = array<i32>} : memref<80x128xf32, #tpu.memory_space<vmem>>, vector<16xf32>,
        %get3A_482 = arith.index_cast %add3A_460 : i32 to index
        %get3A_483 = arith.constant 48 : index
        %get3A_484 = tpu.vector_load %arg14[%get3A_482, %get3A_483] {strides = array<i32>} : memref<80x128xf32, #tpu.memory_space<vmem>>, vector<16xf32>,
        %mul3A_485 = arith.mulf %get3A_484, %broadcast_in_dim3A_456 : vector<16xf32>
        %swap3A_486 = arith.index_cast %add3A_460 : i32 to index
        %swap3A_487 = arith.constant 48 : index
        %swap3A_488 = tpu.vector_load %arg14[%swap3A_486, %swap3A_487] {strides = array<i32>} : memref<80x128xf32, #tpu.memory_space<vmem>>, vector<16xf32>,
        tpu.vector_store %arg14[%swap3A_486, %swap3A_487], %mul3A_485 {strides = array<i32>} : memref<80x128xf32, #tpu.memory_space<vmem>>, vector<16xf32>,
        %get3A_489 = arith.index_cast %add3A_460 : i32 to index
        %get3A_490 = arith.constant 64 : index
        %get3A_491 = tpu.vector_load %arg14[%get3A_489, %get3A_490] {strides = array<i32>} : memref<80x128xf32, #tpu.memory_space<vmem>>, vector<16xf32>,
        %mul3A_492 = arith.mulf %get3A_491, %broadcast_in_dim3A_456 : vector<16xf32>
        %swap3A_493 = arith.index_cast %add3A_460 : i32 to index
        %swap3A_494 = arith.constant 64 : index
        %swap3A_495 = tpu.vector_load %arg14[%swap3A_493, %swap3A_494] {strides = array<i32>} : memref<80x128xf32, #tpu.memory_space<vmem>>, vector<16xf32>,
        tpu.vector_store %arg14[%swap3A_493, %swap3A_494], %mul3A_492 {strides = array<i32>} : memref<80x128xf32, #tpu.memory_space<vmem>>, vector<16xf32>,
        %get3A_496 = arith.index_cast %add3A_460 : i32 to index
        %get3A_497 = arith.constant 80 : index
        %get3A_498 = tpu.vector_load %arg14[%get3A_496, %get3A_497] {strides = array<i32>} : memref<80x128xf32, #tpu.memory_space<vmem>>, vector<16xf32>,
        %mul3A_499 = arith.mulf %get3A_498, %broadcast_in_dim3A_456 : vector<16xf32>
        %swap3A_500 = arith.index_cast %add3A_460 : i32 to index
        %swap3A_501 = arith.constant 80 : index
        %swap3A_502 = tpu.vector_load %arg14[%swap3A_500, %swap3A_501] {strides = array<i32>} : memref<80x128xf32, #tpu.memory_space<vmem>>, vector<16xf32>,
        tpu.vector_store %arg14[%swap3A_500, %swap3A_501], %mul3A_499 {strides = array<i32>} : memref<80x128xf32, #tpu.memory_space<vmem>>, vector<16xf32>,
        %get3A_503 = arith.index_cast %add3A_460 : i32 to index
        %get3A_504 = arith.constant 96 : index
        %get3A_505 = tpu.vector_load %arg14[%get3A_503, %get3A_504] {strides = array<i32>} : memref<80x128xf32, #tpu.memory_space<vmem>>, vector<16xf32>,
        %mul3A_506 = arith.mulf %get3A_505, %broadcast_in_dim3A_456 : vector<16xf32>
        %swap3A_507 = arith.index_cast %add3A_460 : i32 to index
        %swap3A_508 = arith.constant 96 : index
        %swap3A_509 = tpu.vector_load %arg14[%swap3A_507, %swap3A_508] {strides = array<i32>} : memref<80x128xf32, #tpu.memory_space<vmem>>, vector<16xf32>,
        tpu.vector_store %arg14[%swap3A_507, %swap3A_508], %mul3A_506 {strides = array<i32>} : memref<80x128xf32, #tpu.memory_space<vmem>>, vector<16xf32>,
        %get3A_510 = arith.index_cast %add3A_460 : i32 to index
        %get3A_511 = arith.constant 112 : index
        %get3A_512 = tpu.vector_load %arg14[%get3A_510, %get3A_511] {strides = array<i32>} : memref<80x128xf32, #tpu.memory_space<vmem>>, vector<16xf32>,
        %mul3A_513 = arith.mulf %get3A_512, %broadcast_in_dim3A_456 : vector<16xf32>
        %swap3A_514 = arith.index_cast %add3A_460 : i32 to index
        %swap3A_515 = arith.constant 112 : index
        %swap3A_516 = tpu.vector_load %arg14[%swap3A_514, %swap3A_515] {strides = array<i32>} : memref<80x128xf32, #tpu.memory_space<vmem>>, vector<16xf32>,
        tpu.vector_store %arg14[%swap3A_514, %swap3A_515], %mul3A_513 {strides = array<i32>} : memref<80x128xf32, #tpu.memory_space<vmem>>, vector<16xf32>,
        %slice3A_517 = vector.extract_strided_slice %exp3A {offsets = [7], sizes = [1], strides = [1]} : vector<16xf32> to vector<1xf32>
        %squeeze3A_518 = vector.extract %slice3A_517[0] : f32 from vector<1xf32>
        %broadcast_in_dim3A_519 = vector.broadcast %squeeze3A_518 : f32 to vector<16xf32>
        %mul3A_520 = arith.constant 16 : i32
        %mul3A_521 = arith.muli %scan3A_66, %mul3A_520 : i32
        %add3A_522 = arith.constant 7 : i32
        %add3A_523 = arith.addi %mul3A_521, %add3A_522 : i32
        %get3A_524 = arith.index_cast %add3A_523 : i32 to index
        %get3A_525 = arith.constant 0 : index
        %get3A_526 = tpu.vector_load %arg14[%get3A_524, %get3A_525] {strides = array<i32>} : memref<80x128xf32, #tpu.memory_space<vmem>>, vector<16xf32>,
        %mul3A_527 = arith.mulf %get3A_526, %broadcast_in_dim3A_519 : vector<16xf32>
        %swap3A_528 = arith.index_cast %add3A_523 : i32 to index
        %swap3A_529 = arith.constant 0 : index
        %swap3A_530 = tpu.vector_load %arg14[%swap3A_528, %swap3A_529] {strides = array<i32>} : memref<80x128xf32, #tpu.memory_space<vmem>>, vector<16xf32>,
        tpu.vector_store %arg14[%swap3A_528, %swap3A_529], %mul3A_527 {strides = array<i32>} : memref<80x128xf32, #tpu.memory_space<vmem>>, vector<16xf32>,
        %get3A_531 = arith.index_cast %add3A_523 : i32 to index
        %get3A_532 = arith.constant 16 : index
        %get3A_533 = tpu.vector_load %arg14[%get3A_531, %get3A_532] {strides = array<i32>} : memref<80x128xf32, #tpu.memory_space<vmem>>, vector<16xf32>,
        %mul3A_534 = arith.mulf %get3A_533, %broadcast_in_dim3A_519 : vector<16xf32>
        %swap3A_535 = arith.index_cast %add3A_523 : i32 to index
        %swap3A_536 = arith.constant 16 : index
        %swap3A_537 = tpu.vector_load %arg14[%swap3A_535, %swap3A_536] {strides = array<i32>} : memref<80x128xf32, #tpu.memory_space<vmem>>, vector<16xf32>,
        tpu.vector_store %arg14[%swap3A_535, %swap3A_536], %mul3A_534 {strides = array<i32>} : memref<80x128xf32, #tpu.memory_space<vmem>>, vector<16xf32>,
        %get3A_538 = arith.index_cast %add3A_523 : i32 to index
        %get3A_539 = arith.constant 32 : index
        %get3A_540 = tpu.vector_load %arg14[%get3A_538, %get3A_539] {strides = array<i32>} : memref<80x128xf32, #tpu.memory_space<vmem>>, vector<16xf32>,
        %mul3A_541 = arith.mulf %get3A_540, %broadcast_in_dim3A_519 : vector<16xf32>
        %swap3A_542 = arith.index_cast %add3A_523 : i32 to index
        %swap3A_543 = arith.constant 32 : index
        %swap3A_544 = tpu.vector_load %arg14[%swap3A_542, %swap3A_543] {strides = array<i32>} : memref<80x128xf32, #tpu.memory_space<vmem>>, vector<16xf32>,
        tpu.vector_store %arg14[%swap3A_542, %swap3A_543], %mul3A_541 {strides = array<i32>} : memref<80x128xf32, #tpu.memory_space<vmem>>, vector<16xf32>,
        %get3A_545 = arith.index_cast %add3A_523 : i32 to index
        %get3A_546 = arith.constant 48 : index
        %get3A_547 = tpu.vector_load %arg14[%get3A_545, %get3A_546] {strides = array<i32>} : memref<80x128xf32, #tpu.memory_space<vmem>>, vector<16xf32>,
        %mul3A_548 = arith.mulf %get3A_547, %broadcast_in_dim3A_519 : vector<16xf32>
        %swap3A_549 = arith.index_cast %add3A_523 : i32 to index
        %swap3A_550 = arith.constant 48 : index
        %swap3A_551 = tpu.vector_load %arg14[%swap3A_549, %swap3A_550] {strides = array<i32>} : memref<80x128xf32, #tpu.memory_space<vmem>>, vector<16xf32>,
        tpu.vector_store %arg14[%swap3A_549, %swap3A_550], %mul3A_548 {strides = array<i32>} : memref<80x128xf32, #tpu.memory_space<vmem>>, vector<16xf32>,
        %get3A_552 = arith.index_cast %add3A_523 : i32 to index
        %get3A_553 = arith.constant 64 : index
        %get3A_554 = tpu.vector_load %arg14[%get3A_552, %get3A_553] {strides = array<i32>} : memref<80x128xf32, #tpu.memory_space<vmem>>, vector<16xf32>,
        %mul3A_555 = arith.mulf %get3A_554, %broadcast_in_dim3A_519 : vector<16xf32>
        %swap3A_556 = arith.index_cast %add3A_523 : i32 to index
        %swap3A_557 = arith.constant 64 : index
        %swap3A_558 = tpu.vector_load %arg14[%swap3A_556, %swap3A_557] {strides = array<i32>} : memref<80x128xf32, #tpu.memory_space<vmem>>, vector<16xf32>,
        tpu.vector_store %arg14[%swap3A_556, %swap3A_557], %mul3A_555 {strides = array<i32>} : memref<80x128xf32, #tpu.memory_space<vmem>>, vector<16xf32>,
        %get3A_559 = arith.index_cast %add3A_523 : i32 to index
        %get3A_560 = arith.constant 80 : index
        %get3A_561 = tpu.vector_load %arg14[%get3A_559, %get3A_560] {strides = array<i32>} : memref<80x128xf32, #tpu.memory_space<vmem>>, vector<16xf32>,
        %mul3A_562 = arith.mulf %get3A_561, %broadcast_in_dim3A_519 : vector<16xf32>
        %swap3A_563 = arith.index_cast %add3A_523 : i32 to index
        %swap3A_564 = arith.constant 80 : index
        %swap3A_565 = tpu.vector_load %arg14[%swap3A_563, %swap3A_564] {strides = array<i32>} : memref<80x128xf32, #tpu.memory_space<vmem>>, vector<16xf32>,
        tpu.vector_store %arg14[%swap3A_563, %swap3A_564], %mul3A_562 {strides = array<i32>} : memref<80x128xf32, #tpu.memory_space<vmem>>, vector<16xf32>,
        %get3A_566 = arith.index_cast %add3A_523 : i32 to index
        %get3A_567 = arith.constant 96 : index
        %get3A_568 = tpu.vector_load %arg14[%get3A_566, %get3A_567] {strides = array<i32>} : memref<80x128xf32, #tpu.memory_space<vmem>>, vector<16xf32>,
        %mul3A_569 = arith.mulf %get3A_568, %broadcast_in_dim3A_519 : vector<16xf32>
        %swap3A_570 = arith.index_cast %add3A_523 : i32 to index
        %swap3A_571 = arith.constant 96 : index
        %swap3A_572 = tpu.vector_load %arg14[%swap3A_570, %swap3A_571] {strides = array<i32>} : memref<80x128xf32, #tpu.memory_space<vmem>>, vector<16xf32>,
        tpu.vector_store %arg14[%swap3A_570, %swap3A_571], %mul3A_569 {strides = array<i32>} : memref<80x128xf32, #tpu.memory_space<vmem>>, vector<16xf32>,
        %get3A_573 = arith.index_cast %add3A_523 : i32 to index
        %get3A_574 = arith.constant 112 : index
        %get3A_575 = tpu.vector_load %arg14[%get3A_573, %get3A_574] {strides = array<i32>} : memref<80x128xf32, #tpu.memory_space<vmem>>, vector<16xf32>,
        %mul3A_576 = arith.mulf %get3A_575, %broadcast_in_dim3A_519 : vector<16xf32>
        %swap3A_577 = arith.index_cast %add3A_523 : i32 to index
        %swap3A_578 = arith.constant 112 : index
        %swap3A_579 = tpu.vector_load %arg14[%swap3A_577, %swap3A_578] {strides = array<i32>} : memref<80x128xf32, #tpu.memory_space<vmem>>, vector<16xf32>,
        tpu.vector_store %arg14[%swap3A_577, %swap3A_578], %mul3A_576 {strides = array<i32>} : memref<80x128xf32, #tpu.memory_space<vmem>>, vector<16xf32>,
        %slice3A_580 = vector.extract_strided_slice %exp3A {offsets = [8], sizes = [1], strides = [1]} : vector<16xf32> to vector<1xf32>
        %squeeze3A_581 = vector.extract %slice3A_580[0] : f32 from vector<1xf32>
        %broadcast_in_dim3A_582 = vector.broadcast %squeeze3A_581 : f32 to vector<16xf32>
        %mul3A_583 = arith.constant 16 : i32
        %mul3A_584 = arith.muli %scan3A_66, %mul3A_583 : i32
        %add3A_585 = arith.constant 8 : i32
        %add3A_586 = arith.addi %mul3A_584, %add3A_585 : i32
        %get3A_587 = arith.index_cast %add3A_586 : i32 to index
        %get3A_588 = arith.constant 0 : index
        %get3A_589 = tpu.vector_load %arg14[%get3A_587, %get3A_588] {strides = array<i32>} : memref<80x128xf32, #tpu.memory_space<vmem>>, vector<16xf32>,
        %mul3A_590 = arith.mulf %get3A_589, %broadcast_in_dim3A_582 : vector<16xf32>
        %swap3A_591 = arith.index_cast %add3A_586 : i32 to index
        %swap3A_592 = arith.constant 0 : index
        %swap3A_593 = tpu.vector_load %arg14[%swap3A_591, %swap3A_592] {strides = array<i32>} : memref<80x128xf32, #tpu.memory_space<vmem>>, vector<16xf32>,
        tpu.vector_store %arg14[%swap3A_591, %swap3A_592], %mul3A_590 {strides = array<i32>} : memref<80x128xf32, #tpu.memory_space<vmem>>, vector<16xf32>,
        %get3A_594 = arith.index_cast %add3A_586 : i32 to index
        %get3A_595 = arith.constant 16 : index
        %get3A_596 = tpu.vector_load %arg14[%get3A_594, %get3A_595] {strides = array<i32>} : memref<80x128xf32, #tpu.memory_space<vmem>>, vector<16xf32>,
        %mul3A_597 = arith.mulf %get3A_596, %broadcast_in_dim3A_582 : vector<16xf32>
        %swap3A_598 = arith.index_cast %add3A_586 : i32 to index
        %swap3A_599 = arith.constant 16 : index
        %swap3A_600 = tpu.vector_load %arg14[%swap3A_598, %swap3A_599] {strides = array<i32>} : memref<80x128xf32, #tpu.memory_space<vmem>>, vector<16xf32>,
        tpu.vector_store %arg14[%swap3A_598, %swap3A_599], %mul3A_597 {strides = array<i32>} : memref<80x128xf32, #tpu.memory_space<vmem>>, vector<16xf32>,
        %get3A_601 = arith.index_cast %add3A_586 : i32 to index
        %get3A_602 = arith.constant 32 : index
        %get3A_603 = tpu.vector_load %arg14[%get3A_601, %get3A_602] {strides = array<i32>} : memref<80x128xf32, #tpu.memory_space<vmem>>, vector<16xf32>,
        %mul3A_604 = arith.mulf %get3A_603, %broadcast_in_dim3A_582 : vector<16xf32>
        %swap3A_605 = arith.index_cast %add3A_586 : i32 to index
        %swap3A_606 = arith.constant 32 : index
        %swap3A_607 = tpu.vector_load %arg14[%swap3A_605, %swap3A_606] {strides = array<i32>} : memref<80x128xf32, #tpu.memory_space<vmem>>, vector<16xf32>,
        tpu.vector_store %arg14[%swap3A_605, %swap3A_606], %mul3A_604 {strides = array<i32>} : memref<80x128xf32, #tpu.memory_space<vmem>>, vector<16xf32>,
        %get3A_608 = arith.index_cast %add3A_586 : i32 to index
        %get3A_609 = arith.constant 48 : index
        %get3A_610 = tpu.vector_load %arg14[%get3A_608, %get3A_609] {strides = array<i32>} : memref<80x128xf32, #tpu.memory_space<vmem>>, vector<16xf32>,
        %mul3A_611 = arith.mulf %get3A_610, %broadcast_in_dim3A_582 : vector<16xf32>
        %swap3A_612 = arith.index_cast %add3A_586 : i32 to index
        %swap3A_613 = arith.constant 48 : index
        %swap3A_614 = tpu.vector_load %arg14[%swap3A_612, %swap3A_613] {strides = array<i32>} : memref<80x128xf32, #tpu.memory_space<vmem>>, vector<16xf32>,
        tpu.vector_store %arg14[%swap3A_612, %swap3A_613], %mul3A_611 {strides = array<i32>} : memref<80x128xf32, #tpu.memory_space<vmem>>, vector<16xf32>,
        %get3A_615 = arith.index_cast %add3A_586 : i32 to index
        %get3A_616 = arith.constant 64 : index
        %get3A_617 = tpu.vector_load %arg14[%get3A_615, %get3A_616] {strides = array<i32>} : memref<80x128xf32, #tpu.memory_space<vmem>>, vector<16xf32>,
        %mul3A_618 = arith.mulf %get3A_617, %broadcast_in_dim3A_582 : vector<16xf32>
        %swap3A_619 = arith.index_cast %add3A_586 : i32 to index
        %swap3A_620 = arith.constant 64 : index
        %swap3A_621 = tpu.vector_load %arg14[%swap3A_619, %swap3A_620] {strides = array<i32>} : memref<80x128xf32, #tpu.memory_space<vmem>>, vector<16xf32>,
        tpu.vector_store %arg14[%swap3A_619, %swap3A_620], %mul3A_618 {strides = array<i32>} : memref<80x128xf32, #tpu.memory_space<vmem>>, vector<16xf32>,
        %get3A_622 = arith.index_cast %add3A_586 : i32 to index
        %get3A_623 = arith.constant 80 : index
        %get3A_624 = tpu.vector_load %arg14[%get3A_622, %get3A_623] {strides = array<i32>} : memref<80x128xf32, #tpu.memory_space<vmem>>, vector<16xf32>,
        %mul3A_625 = arith.mulf %get3A_624, %broadcast_in_dim3A_582 : vector<16xf32>
        %swap3A_626 = arith.index_cast %add3A_586 : i32 to index
        %swap3A_627 = arith.constant 80 : index
        %swap3A_628 = tpu.vector_load %arg14[%swap3A_626, %swap3A_627] {strides = array<i32>} : memref<80x128xf32, #tpu.memory_space<vmem>>, vector<16xf32>,
        tpu.vector_store %arg14[%swap3A_626, %swap3A_627], %mul3A_625 {strides = array<i32>} : memref<80x128xf32, #tpu.memory_space<vmem>>, vector<16xf32>,
        %get3A_629 = arith.index_cast %add3A_586 : i32 to index
        %get3A_630 = arith.constant 96 : index
        %get3A_631 = tpu.vector_load %arg14[%get3A_629, %get3A_630] {strides = array<i32>} : memref<80x128xf32, #tpu.memory_space<vmem>>, vector<16xf32>,
        %mul3A_632 = arith.mulf %get3A_631, %broadcast_in_dim3A_582 : vector<16xf32>
        %swap3A_633 = arith.index_cast %add3A_586 : i32 to index
        %swap3A_634 = arith.constant 96 : index
        %swap3A_635 = tpu.vector_load %arg14[%swap3A_633, %swap3A_634] {strides = array<i32>} : memref<80x128xf32, #tpu.memory_space<vmem>>, vector<16xf32>,
        tpu.vector_store %arg14[%swap3A_633, %swap3A_634], %mul3A_632 {strides = array<i32>} : memref<80x128xf32, #tpu.memory_space<vmem>>, vector<16xf32>,
        %get3A_636 = arith.index_cast %add3A_586 : i32 to index
        %get3A_637 = arith.constant 112 : index
        %get3A_638 = tpu.vector_load %arg14[%get3A_636, %get3A_637] {strides = array<i32>} : memref<80x128xf32, #tpu.memory_space<vmem>>, vector<16xf32>,
        %mul3A_639 = arith.mulf %get3A_638, %broadcast_in_dim3A_582 : vector<16xf32>
        %swap3A_640 = arith.index_cast %add3A_586 : i32 to index
        %swap3A_641 = arith.constant 112 : index
        %swap3A_642 = tpu.vector_load %arg14[%swap3A_640, %swap3A_641] {strides = array<i32>} : memref<80x128xf32, #tpu.memory_space<vmem>>, vector<16xf32>,
        tpu.vector_store %arg14[%swap3A_640, %swap3A_641], %mul3A_639 {strides = array<i32>} : memref<80x128xf32, #tpu.memory_space<vmem>>, vector<16xf32>,
        %slice3A_643 = vector.extract_strided_slice %exp3A {offsets = [9], sizes = [1], strides = [1]} : vector<16xf32> to vector<1xf32>
        %squeeze3A_644 = vector.extract %slice3A_643[0] : f32 from vector<1xf32>
        %broadcast_in_dim3A_645 = vector.broadcast %squeeze3A_644 : f32 to vector<16xf32>
        %mul3A_646 = arith.constant 16 : i32
        %mul3A_647 = arith.muli %scan3A_66, %mul3A_646 : i32
        %add3A_648 = arith.constant 9 : i32
        %add3A_649 = arith.addi %mul3A_647, %add3A_648 : i32
        %get3A_650 = arith.index_cast %add3A_649 : i32 to index
        %get3A_651 = arith.constant 0 : index
        %get3A_652 = tpu.vector_load %arg14[%get3A_650, %get3A_651] {strides = array<i32>} : memref<80x128xf32, #tpu.memory_space<vmem>>, vector<16xf32>,
        %mul3A_653 = arith.mulf %get3A_652, %broadcast_in_dim3A_645 : vector<16xf32>
        %swap3A_654 = arith.index_cast %add3A_649 : i32 to index
        %swap3A_655 = arith.constant 0 : index
        %swap3A_656 = tpu.vector_load %arg14[%swap3A_654, %swap3A_655] {strides = array<i32>} : memref<80x128xf32, #tpu.memory_space<vmem>>, vector<16xf32>,
        tpu.vector_store %arg14[%swap3A_654, %swap3A_655], %mul3A_653 {strides = array<i32>} : memref<80x128xf32, #tpu.memory_space<vmem>>, vector<16xf32>,
        %get3A_657 = arith.index_cast %add3A_649 : i32 to index
        %get3A_658 = arith.constant 16 : index
        %get3A_659 = tpu.vector_load %arg14[%get3A_657, %get3A_658] {strides = array<i32>} : memref<80x128xf32, #tpu.memory_space<vmem>>, vector<16xf32>,
        %mul3A_660 = arith.mulf %get3A_659, %broadcast_in_dim3A_645 : vector<16xf32>
        %swap3A_661 = arith.index_cast %add3A_649 : i32 to index
        %swap3A_662 = arith.constant 16 : index
        %swap3A_663 = tpu.vector_load %arg14[%swap3A_661, %swap3A_662] {strides = array<i32>} : memref<80x128xf32, #tpu.memory_space<vmem>>, vector<16xf32>,
        tpu.vector_store %arg14[%swap3A_661, %swap3A_662], %mul3A_660 {strides = array<i32>} : memref<80x128xf32, #tpu.memory_space<vmem>>, vector<16xf32>,
        %get3A_664 = arith.index_cast %add3A_649 : i32 to index
        %get3A_665 = arith.constant 32 : index
        %get3A_666 = tpu.vector_load %arg14[%get3A_664, %get3A_665] {strides = array<i32>} : memref<80x128xf32, #tpu.memory_space<vmem>>, vector<16xf32>,
        %mul3A_667 = arith.mulf %get3A_666, %broadcast_in_dim3A_645 : vector<16xf32>
        %swap3A_668 = arith.index_cast %add3A_649 : i32 to index
        %swap3A_669 = arith.constant 32 : index
        %swap3A_670 = tpu.vector_load %arg14[%swap3A_668, %swap3A_669] {strides = array<i32>} : memref<80x128xf32, #tpu.memory_space<vmem>>, vector<16xf32>,
        tpu.vector_store %arg14[%swap3A_668, %swap3A_669], %mul3A_667 {strides = array<i32>} : memref<80x128xf32, #tpu.memory_space<vmem>>, vector<16xf32>,
        %get3A_671 = arith.index_cast %add3A_649 : i32 to index
        %get3A_672 = arith.constant 48 : index
        %get3A_673 = tpu.vector_load %arg14[%get3A_671, %get3A_672] {strides = array<i32>} : memref<80x128xf32, #tpu.memory_space<vmem>>, vector<16xf32>,
        %mul3A_674 = arith.mulf %get3A_673, %broadcast_in_dim3A_645 : vector<16xf32>
        %swap3A_675 = arith.index_cast %add3A_649 : i32 to index
        %swap3A_676 = arith.constant 48 : index
        %swap3A_677 = tpu.vector_load %arg14[%swap3A_675, %swap3A_676] {strides = array<i32>} : memref<80x128xf32, #tpu.memory_space<vmem>>, vector<16xf32>,
        tpu.vector_store %arg14[%swap3A_675, %swap3A_676], %mul3A_674 {strides = array<i32>} : memref<80x128xf32, #tpu.memory_space<vmem>>, vector<16xf32>,
        %get3A_678 = arith.index_cast %add3A_649 : i32 to index
        %get3A_679 = arith.constant 64 : index
        %get3A_680 = tpu.vector_load %arg14[%get3A_678, %get3A_679] {strides = array<i32>} : memref<80x128xf32, #tpu.memory_space<vmem>>, vector<16xf32>,
        %mul3A_681 = arith.mulf %get3A_680, %broadcast_in_dim3A_645 : vector<16xf32>
        %swap3A_682 = arith.index_cast %add3A_649 : i32 to index
        %swap3A_683 = arith.constant 64 : index
        %swap3A_684 = tpu.vector_load %arg14[%swap3A_682, %swap3A_683] {strides = array<i32>} : memref<80x128xf32, #tpu.memory_space<vmem>>, vector<16xf32>,
        tpu.vector_store %arg14[%swap3A_682, %swap3A_683], %mul3A_681 {strides = array<i32>} : memref<80x128xf32, #tpu.memory_space<vmem>>, vector<16xf32>,
        %get3A_685 = arith.index_cast %add3A_649 : i32 to index
        %get3A_686 = arith.constant 80 : index
        %get3A_687 = tpu.vector_load %arg14[%get3A_685, %get3A_686] {strides = array<i32>} : memref<80x128xf32, #tpu.memory_space<vmem>>, vector<16xf32>,
        %mul3A_688 = arith.mulf %get3A_687, %broadcast_in_dim3A_645 : vector<16xf32>
        %swap3A_689 = arith.index_cast %add3A_649 : i32 to index
        %swap3A_690 = arith.constant 80 : index
        %swap3A_691 = tpu.vector_load %arg14[%swap3A_689, %swap3A_690] {strides = array<i32>} : memref<80x128xf32, #tpu.memory_space<vmem>>, vector<16xf32>,
        tpu.vector_store %arg14[%swap3A_689, %swap3A_690], %mul3A_688 {strides = array<i32>} : memref<80x128xf32, #tpu.memory_space<vmem>>, vector<16xf32>,
        %get3A_692 = arith.index_cast %add3A_649 : i32 to index
        %get3A_693 = arith.constant 96 : index
        %get3A_694 = tpu.vector_load %arg14[%get3A_692, %get3A_693] {strides = array<i32>} : memref<80x128xf32, #tpu.memory_space<vmem>>, vector<16xf32>,
        %mul3A_695 = arith.mulf %get3A_694, %broadcast_in_dim3A_645 : vector<16xf32>
        %swap3A_696 = arith.index_cast %add3A_649 : i32 to index
        %swap3A_697 = arith.constant 96 : index
        %swap3A_698 = tpu.vector_load %arg14[%swap3A_696, %swap3A_697] {strides = array<i32>} : memref<80x128xf32, #tpu.memory_space<vmem>>, vector<16xf32>,
        tpu.vector_store %arg14[%swap3A_696, %swap3A_697], %mul3A_695 {strides = array<i32>} : memref<80x128xf32, #tpu.memory_space<vmem>>, vector<16xf32>,
        %get3A_699 = arith.index_cast %add3A_649 : i32 to index
        %get3A_700 = arith.constant 112 : index
        %get3A_701 = tpu.vector_load %arg14[%get3A_699, %get3A_700] {strides = array<i32>} : memref<80x128xf32, #tpu.memory_space<vmem>>, vector<16xf32>,
        %mul3A_702 = arith.mulf %get3A_701, %broadcast_in_dim3A_645 : vector<16xf32>
        %swap3A_703 = arith.index_cast %add3A_649 : i32 to index
        %swap3A_704 = arith.constant 112 : index
        %swap3A_705 = tpu.vector_load %arg14[%swap3A_703, %swap3A_704] {strides = array<i32>} : memref<80x128xf32, #tpu.memory_space<vmem>>, vector<16xf32>,
        tpu.vector_store %arg14[%swap3A_703, %swap3A_704], %mul3A_702 {strides = array<i32>} : memref<80x128xf32, #tpu.memory_space<vmem>>, vector<16xf32>,
        %slice3A_706 = vector.extract_strided_slice %exp3A {offsets = [10], sizes = [1], strides = [1]} : vector<16xf32> to vector<1xf32>
        %squeeze3A_707 = vector.extract %slice3A_706[0] : f32 from vector<1xf32>
        %broadcast_in_dim3A_708 = vector.broadcast %squeeze3A_707 : f32 to vector<16xf32>
        %mul3A_709 = arith.constant 16 : i32
        %mul3A_710 = arith.muli %scan3A_66, %mul3A_709 : i32
        %add3A_711 = arith.constant 10 : i32
        %add3A_712 = arith.addi %mul3A_710, %add3A_711 : i32
        %get3A_713 = arith.index_cast %add3A_712 : i32 to index
        %get3A_714 = arith.constant 0 : index
        %get3A_715 = tpu.vector_load %arg14[%get3A_713, %get3A_714] {strides = array<i32>} : memref<80x128xf32, #tpu.memory_space<vmem>>, vector<16xf32>,
        %mul3A_716 = arith.mulf %get3A_715, %broadcast_in_dim3A_708 : vector<16xf32>
        %swap3A_717 = arith.index_cast %add3A_712 : i32 to index
        %swap3A_718 = arith.constant 0 : index
        %swap3A_719 = tpu.vector_load %arg14[%swap3A_717, %swap3A_718] {strides = array<i32>} : memref<80x128xf32, #tpu.memory_space<vmem>>, vector<16xf32>,
        tpu.vector_store %arg14[%swap3A_717, %swap3A_718], %mul3A_716 {strides = array<i32>} : memref<80x128xf32, #tpu.memory_space<vmem>>, vector<16xf32>,
        %get3A_720 = arith.index_cast %add3A_712 : i32 to index
        %get3A_721 = arith.constant 16 : index
        %get3A_722 = tpu.vector_load %arg14[%get3A_720, %get3A_721] {strides = array<i32>} : memref<80x128xf32, #tpu.memory_space<vmem>>, vector<16xf32>,
        %mul3A_723 = arith.mulf %get3A_722, %broadcast_in_dim3A_708 : vector<16xf32>
        %swap3A_724 = arith.index_cast %add3A_712 : i32 to index
        %swap3A_725 = arith.constant 16 : index
        %swap3A_726 = tpu.vector_load %arg14[%swap3A_724, %swap3A_725] {strides = array<i32>} : memref<80x128xf32, #tpu.memory_space<vmem>>, vector<16xf32>,
        tpu.vector_store %arg14[%swap3A_724, %swap3A_725], %mul3A_723 {strides = array<i32>} : memref<80x128xf32, #tpu.memory_space<vmem>>, vector<16xf32>,
        %get3A_727 = arith.index_cast %add3A_712 : i32 to index
        %get3A_728 = arith.constant 32 : index
        %get3A_729 = tpu.vector_load %arg14[%get3A_727, %get3A_728] {strides = array<i32>} : memref<80x128xf32, #tpu.memory_space<vmem>>, vector<16xf32>,
        %mul3A_730 = arith.mulf %get3A_729, %broadcast_in_dim3A_708 : vector<16xf32>
        %swap3A_731 = arith.index_cast %add3A_712 : i32 to index
        %swap3A_732 = arith.constant 32 : index
        %swap3A_733 = tpu.vector_load %arg14[%swap3A_731, %swap3A_732] {strides = array<i32>} : memref<80x128xf32, #tpu.memory_space<vmem>>, vector<16xf32>,
        tpu.vector_store %arg14[%swap3A_731, %swap3A_732], %mul3A_730 {strides = array<i32>} : memref<80x128xf32, #tpu.memory_space<vmem>>, vector<16xf32>,
        %get3A_734 = arith.index_cast %add3A_712 : i32 to index
        %get3A_735 = arith.constant 48 : index
        %get3A_736 = tpu.vector_load %arg14[%get3A_734, %get3A_735] {strides = array<i32>} : memref<80x128xf32, #tpu.memory_space<vmem>>, vector<16xf32>,
        %mul3A_737 = arith.mulf %get3A_736, %broadcast_in_dim3A_708 : vector<16xf32>
        %swap3A_738 = arith.index_cast %add3A_712 : i32 to index
        %swap3A_739 = arith.constant 48 : index
        %swap3A_740 = tpu.vector_load %arg14[%swap3A_738, %swap3A_739] {strides = array<i32>} : memref<80x128xf32, #tpu.memory_space<vmem>>, vector<16xf32>,
        tpu.vector_store %arg14[%swap3A_738, %swap3A_739], %mul3A_737 {strides = array<i32>} : memref<80x128xf32, #tpu.memory_space<vmem>>, vector<16xf32>,
        %get3A_741 = arith.index_cast %add3A_712 : i32 to index
        %get3A_742 = arith.constant 64 : index
        %get3A_743 = tpu.vector_load %arg14[%get3A_741, %get3A_742] {strides = array<i32>} : memref<80x128xf32, #tpu.memory_space<vmem>>, vector<16xf32>,
        %mul3A_744 = arith.mulf %get3A_743, %broadcast_in_dim3A_708 : vector<16xf32>
        %swap3A_745 = arith.index_cast %add3A_712 : i32 to index
        %swap3A_746 = arith.constant 64 : index
        %swap3A_747 = tpu.vector_load %arg14[%swap3A_745, %swap3A_746] {strides = array<i32>} : memref<80x128xf32, #tpu.memory_space<vmem>>, vector<16xf32>,
        tpu.vector_store %arg14[%swap3A_745, %swap3A_746], %mul3A_744 {strides = array<i32>} : memref<80x128xf32, #tpu.memory_space<vmem>>, vector<16xf32>,
        %get3A_748 = arith.index_cast %add3A_712 : i32 to index
        %get3A_749 = arith.constant 80 : index
        %get3A_750 = tpu.vector_load %arg14[%get3A_748, %get3A_749] {strides = array<i32>} : memref<80x128xf32, #tpu.memory_space<vmem>>, vector<16xf32>,
        %mul3A_751 = arith.mulf %get3A_750, %broadcast_in_dim3A_708 : vector<16xf32>
        %swap3A_752 = arith.index_cast %add3A_712 : i32 to index
        %swap3A_753 = arith.constant 80 : index
        %swap3A_754 = tpu.vector_load %arg14[%swap3A_752, %swap3A_753] {strides = array<i32>} : memref<80x128xf32, #tpu.memory_space<vmem>>, vector<16xf32>,
        tpu.vector_store %arg14[%swap3A_752, %swap3A_753], %mul3A_751 {strides = array<i32>} : memref<80x128xf32, #tpu.memory_space<vmem>>, vector<16xf32>,
        %get3A_755 = arith.index_cast %add3A_712 : i32 to index
        %get3A_756 = arith.constant 96 : index
        %get3A_757 = tpu.vector_load %arg14[%get3A_755, %get3A_756] {strides = array<i32>} : memref<80x128xf32, #tpu.memory_space<vmem>>, vector<16xf32>,
        %mul3A_758 = arith.mulf %get3A_757, %broadcast_in_dim3A_708 : vector<16xf32>
        %swap3A_759 = arith.index_cast %add3A_712 : i32 to index
        %swap3A_760 = arith.constant 96 : index
        %swap3A_761 = tpu.vector_load %arg14[%swap3A_759, %swap3A_760] {strides = array<i32>} : memref<80x128xf32, #tpu.memory_space<vmem>>, vector<16xf32>,
        tpu.vector_store %arg14[%swap3A_759, %swap3A_760], %mul3A_758 {strides = array<i32>} : memref<80x128xf32, #tpu.memory_space<vmem>>, vector<16xf32>,
        %get3A_762 = arith.index_cast %add3A_712 : i32 to index
        %get3A_763 = arith.constant 112 : index
        %get3A_764 = tpu.vector_load %arg14[%get3A_762, %get3A_763] {strides = array<i32>} : memref<80x128xf32, #tpu.memory_space<vmem>>, vector<16xf32>,
        %mul3A_765 = arith.mulf %get3A_764, %broadcast_in_dim3A_708 : vector<16xf32>
        %swap3A_766 = arith.index_cast %add3A_712 : i32 to index
        %swap3A_767 = arith.constant 112 : index
        %swap3A_768 = tpu.vector_load %arg14[%swap3A_766, %swap3A_767] {strides = array<i32>} : memref<80x128xf32, #tpu.memory_space<vmem>>, vector<16xf32>,
        tpu.vector_store %arg14[%swap3A_766, %swap3A_767], %mul3A_765 {strides = array<i32>} : memref<80x128xf32, #tpu.memory_space<vmem>>, vector<16xf32>,
        %slice3A_769 = vector.extract_strided_slice %exp3A {offsets = [11], sizes = [1], strides = [1]} : vector<16xf32> to vector<1xf32>
        %squeeze3A_770 = vector.extract %slice3A_769[0] : f32 from vector<1xf32>
        %broadcast_in_dim3A_771 = vector.broadcast %squeeze3A_770 : f32 to vector<16xf32>
        %mul3A_772 = arith.constant 16 : i32
        %mul3A_773 = arith.muli %scan3A_66, %mul3A_772 : i32
        %add3A_774 = arith.constant 11 : i32
        %add3A_775 = arith.addi %mul3A_773, %add3A_774 : i32
        %get3A_776 = arith.index_cast %add3A_775 : i32 to index
        %get3A_777 = arith.constant 0 : index
        %get3A_778 = tpu.vector_load %arg14[%get3A_776, %get3A_777] {strides = array<i32>} : memref<80x128xf32, #tpu.memory_space<vmem>>, vector<16xf32>,
        %mul3A_779 = arith.mulf %get3A_778, %broadcast_in_dim3A_771 : vector<16xf32>
        %swap3A_780 = arith.index_cast %add3A_775 : i32 to index
        %swap3A_781 = arith.constant 0 : index
        %swap3A_782 = tpu.vector_load %arg14[%swap3A_780, %swap3A_781] {strides = array<i32>} : memref<80x128xf32, #tpu.memory_space<vmem>>, vector<16xf32>,
        tpu.vector_store %arg14[%swap3A_780, %swap3A_781], %mul3A_779 {strides = array<i32>} : memref<80x128xf32, #tpu.memory_space<vmem>>, vector<16xf32>,
        %get3A_783 = arith.index_cast %add3A_775 : i32 to index
        %get3A_784 = arith.constant 16 : index
        %get3A_785 = tpu.vector_load %arg14[%get3A_783, %get3A_784] {strides = array<i32>} : memref<80x128xf32, #tpu.memory_space<vmem>>, vector<16xf32>,
        %mul3A_786 = arith.mulf %get3A_785, %broadcast_in_dim3A_771 : vector<16xf32>
        %swap3A_787 = arith.index_cast %add3A_775 : i32 to index
        %swap3A_788 = arith.constant 16 : index
        %swap3A_789 = tpu.vector_load %arg14[%swap3A_787, %swap3A_788] {strides = array<i32>} : memref<80x128xf32, #tpu.memory_space<vmem>>, vector<16xf32>,
        tpu.vector_store %arg14[%swap3A_787, %swap3A_788], %mul3A_786 {strides = array<i32>} : memref<80x128xf32, #tpu.memory_space<vmem>>, vector<16xf32>,
        %get3A_790 = arith.index_cast %add3A_775 : i32 to index
        %get3A_791 = arith.constant 32 : index
        %get3A_792 = tpu.vector_load %arg14[%get3A_790, %get3A_791] {strides = array<i32>} : memref<80x128xf32, #tpu.memory_space<vmem>>, vector<16xf32>,
        %mul3A_793 = arith.mulf %get3A_792, %broadcast_in_dim3A_771 : vector<16xf32>
        %swap3A_794 = arith.index_cast %add3A_775 : i32 to index
        %swap3A_795 = arith.constant 32 : index
        %swap3A_796 = tpu.vector_load %arg14[%swap3A_794, %swap3A_795] {strides = array<i32>} : memref<80x128xf32, #tpu.memory_space<vmem>>, vector<16xf32>,
        tpu.vector_store %arg14[%swap3A_794, %swap3A_795], %mul3A_793 {strides = array<i32>} : memref<80x128xf32, #tpu.memory_space<vmem>>, vector<16xf32>,
        %get3A_797 = arith.index_cast %add3A_775 : i32 to index
        %get3A_798 = arith.constant 48 : index
        %get3A_799 = tpu.vector_load %arg14[%get3A_797, %get3A_798] {strides = array<i32>} : memref<80x128xf32, #tpu.memory_space<vmem>>, vector<16xf32>,
        %mul3A_800 = arith.mulf %get3A_799, %broadcast_in_dim3A_771 : vector<16xf32>
        %swap3A_801 = arith.index_cast %add3A_775 : i32 to index
        %swap3A_802 = arith.constant 48 : index
        %swap3A_803 = tpu.vector_load %arg14[%swap3A_801, %swap3A_802] {strides = array<i32>} : memref<80x128xf32, #tpu.memory_space<vmem>>, vector<16xf32>,
        tpu.vector_store %arg14[%swap3A_801, %swap3A_802], %mul3A_800 {strides = array<i32>} : memref<80x128xf32, #tpu.memory_space<vmem>>, vector<16xf32>,
        %get3A_804 = arith.index_cast %add3A_775 : i32 to index
        %get3A_805 = arith.constant 64 : index
        %get3A_806 = tpu.vector_load %arg14[%get3A_804, %get3A_805] {strides = array<i32>} : memref<80x128xf32, #tpu.memory_space<vmem>>, vector<16xf32>,
        %mul3A_807 = arith.mulf %get3A_806, %broadcast_in_dim3A_771 : vector<16xf32>
        %swap3A_808 = arith.index_cast %add3A_775 : i32 to index
        %swap3A_809 = arith.constant 64 : index
        %swap3A_810 = tpu.vector_load %arg14[%swap3A_808, %swap3A_809] {strides = array<i32>} : memref<80x128xf32, #tpu.memory_space<vmem>>, vector<16xf32>,
        tpu.vector_store %arg14[%swap3A_808, %swap3A_809], %mul3A_807 {strides = array<i32>} : memref<80x128xf32, #tpu.memory_space<vmem>>, vector<16xf32>,
        %get3A_811 = arith.index_cast %add3A_775 : i32 to index
        %get3A_812 = arith.constant 80 : index
        %get3A_813 = tpu.vector_load %arg14[%get3A_811, %get3A_812] {strides = array<i32>} : memref<80x128xf32, #tpu.memory_space<vmem>>, vector<16xf32>,
        %mul3A_814 = arith.mulf %get3A_813, %broadcast_in_dim3A_771 : vector<16xf32>
        %swap3A_815 = arith.index_cast %add3A_775 : i32 to index
        %swap3A_816 = arith.constant 80 : index
        %swap3A_817 = tpu.vector_load %arg14[%swap3A_815, %swap3A_816] {strides = array<i32>} : memref<80x128xf32, #tpu.memory_space<vmem>>, vector<16xf32>,
        tpu.vector_store %arg14[%swap3A_815, %swap3A_816], %mul3A_814 {strides = array<i32>} : memref<80x128xf32, #tpu.memory_space<vmem>>, vector<16xf32>,
        %get3A_818 = arith.index_cast %add3A_775 : i32 to index
        %get3A_819 = arith.constant 96 : index
        %get3A_820 = tpu.vector_load %arg14[%get3A_818, %get3A_819] {strides = array<i32>} : memref<80x128xf32, #tpu.memory_space<vmem>>, vector<16xf32>,
        %mul3A_821 = arith.mulf %get3A_820, %broadcast_in_dim3A_771 : vector<16xf32>
        %swap3A_822 = arith.index_cast %add3A_775 : i32 to index
        %swap3A_823 = arith.constant 96 : index
        %swap3A_824 = tpu.vector_load %arg14[%swap3A_822, %swap3A_823] {strides = array<i32>} : memref<80x128xf32, #tpu.memory_space<vmem>>, vector<16xf32>,
        tpu.vector_store %arg14[%swap3A_822, %swap3A_823], %mul3A_821 {strides = array<i32>} : memref<80x128xf32, #tpu.memory_space<vmem>>, vector<16xf32>,
        %get3A_825 = arith.index_cast %add3A_775 : i32 to index
        %get3A_826 = arith.constant 112 : index
        %get3A_827 = tpu.vector_load %arg14[%get3A_825, %get3A_826] {strides = array<i32>} : memref<80x128xf32, #tpu.memory_space<vmem>>, vector<16xf32>,
        %mul3A_828 = arith.mulf %get3A_827, %broadcast_in_dim3A_771 : vector<16xf32>
        %swap3A_829 = arith.index_cast %add3A_775 : i32 to index
        %swap3A_830 = arith.constant 112 : index
        %swap3A_831 = tpu.vector_load %arg14[%swap3A_829, %swap3A_830] {strides = array<i32>} : memref<80x128xf32, #tpu.memory_space<vmem>>, vector<16xf32>,
        tpu.vector_store %arg14[%swap3A_829, %swap3A_830], %mul3A_828 {strides = array<i32>} : memref<80x128xf32, #tpu.memory_space<vmem>>, vector<16xf32>,
        %slice3A_832 = vector.extract_strided_slice %exp3A {offsets = [12], sizes = [1], strides = [1]} : vector<16xf32> to vector<1xf32>
        %squeeze3A_833 = vector.extract %slice3A_832[0] : f32 from vector<1xf32>
        %broadcast_in_dim3A_834 = vector.broadcast %squeeze3A_833 : f32 to vector<16xf32>
        %mul3A_835 = arith.constant 16 : i32
        %mul3A_836 = arith.muli %scan3A_66, %mul3A_835 : i32
        %add3A_837 = arith.constant 12 : i32
        %add3A_838 = arith.addi %mul3A_836, %add3A_837 : i32
        %get3A_839 = arith.index_cast %add3A_838 : i32 to index
        %get3A_840 = arith.constant 0 : index
        %get3A_841 = tpu.vector_load %arg14[%get3A_839, %get3A_840] {strides = array<i32>} : memref<80x128xf32, #tpu.memory_space<vmem>>, vector<16xf32>,
        %mul3A_842 = arith.mulf %get3A_841, %broadcast_in_dim3A_834 : vector<16xf32>
        %swap3A_843 = arith.index_cast %add3A_838 : i32 to index
        %swap3A_844 = arith.constant 0 : index
        %swap3A_845 = tpu.vector_load %arg14[%swap3A_843, %swap3A_844] {strides = array<i32>} : memref<80x128xf32, #tpu.memory_space<vmem>>, vector<16xf32>,
        tpu.vector_store %arg14[%swap3A_843, %swap3A_844], %mul3A_842 {strides = array<i32>} : memref<80x128xf32, #tpu.memory_space<vmem>>, vector<16xf32>,
        %get3A_846 = arith.index_cast %add3A_838 : i32 to index
        %get3A_847 = arith.constant 16 : index
        %get3A_848 = tpu.vector_load %arg14[%get3A_846, %get3A_847] {strides = array<i32>} : memref<80x128xf32, #tpu.memory_space<vmem>>, vector<16xf32>,
        %mul3A_849 = arith.mulf %get3A_848, %broadcast_in_dim3A_834 : vector<16xf32>
        %swap3A_850 = arith.index_cast %add3A_838 : i32 to index
        %swap3A_851 = arith.constant 16 : index
        %swap3A_852 = tpu.vector_load %arg14[%swap3A_850, %swap3A_851] {strides = array<i32>} : memref<80x128xf32, #tpu.memory_space<vmem>>, vector<16xf32>,
        tpu.vector_store %arg14[%swap3A_850, %swap3A_851], %mul3A_849 {strides = array<i32>} : memref<80x128xf32, #tpu.memory_space<vmem>>, vector<16xf32>,
        %get3A_853 = arith.index_cast %add3A_838 : i32 to index
        %get3A_854 = arith.constant 32 : index
        %get3A_855 = tpu.vector_load %arg14[%get3A_853, %get3A_854] {strides = array<i32>} : memref<80x128xf32, #tpu.memory_space<vmem>>, vector<16xf32>,
        %mul3A_856 = arith.mulf %get3A_855, %broadcast_in_dim3A_834 : vector<16xf32>
        %swap3A_857 = arith.index_cast %add3A_838 : i32 to index
        %swap3A_858 = arith.constant 32 : index
        %swap3A_859 = tpu.vector_load %arg14[%swap3A_857, %swap3A_858] {strides = array<i32>} : memref<80x128xf32, #tpu.memory_space<vmem>>, vector<16xf32>,
        tpu.vector_store %arg14[%swap3A_857, %swap3A_858], %mul3A_856 {strides = array<i32>} : memref<80x128xf32, #tpu.memory_space<vmem>>, vector<16xf32>,
        %get3A_860 = arith.index_cast %add3A_838 : i32 to index
        %get3A_861 = arith.constant 48 : index
        %get3A_862 = tpu.vector_load %arg14[%get3A_860, %get3A_861] {strides = array<i32>} : memref<80x128xf32, #tpu.memory_space<vmem>>, vector<16xf32>,
        %mul3A_863 = arith.mulf %get3A_862, %broadcast_in_dim3A_834 : vector<16xf32>
        %swap3A_864 = arith.index_cast %add3A_838 : i32 to index
        %swap3A_865 = arith.constant 48 : index
        %swap3A_866 = tpu.vector_load %arg14[%swap3A_864, %swap3A_865] {strides = array<i32>} : memref<80x128xf32, #tpu.memory_space<vmem>>, vector<16xf32>,
        tpu.vector_store %arg14[%swap3A_864, %swap3A_865], %mul3A_863 {strides = array<i32>} : memref<80x128xf32, #tpu.memory_space<vmem>>, vector<16xf32>,
        %get3A_867 = arith.index_cast %add3A_838 : i32 to index
        %get3A_868 = arith.constant 64 : index
        %get3A_869 = tpu.vector_load %arg14[%get3A_867, %get3A_868] {strides = array<i32>} : memref<80x128xf32, #tpu.memory_space<vmem>>, vector<16xf32>,
        %mul3A_870 = arith.mulf %get3A_869, %broadcast_in_dim3A_834 : vector<16xf32>
        %swap3A_871 = arith.index_cast %add3A_838 : i32 to index
        %swap3A_872 = arith.constant 64 : index
        %swap3A_873 = tpu.vector_load %arg14[%swap3A_871, %swap3A_872] {strides = array<i32>} : memref<80x128xf32, #tpu.memory_space<vmem>>, vector<16xf32>,
        tpu.vector_store %arg14[%swap3A_871, %swap3A_872], %mul3A_870 {strides = array<i32>} : memref<80x128xf32, #tpu.memory_space<vmem>>, vector<16xf32>,
        %get3A_874 = arith.index_cast %add3A_838 : i32 to index
        %get3A_875 = arith.constant 80 : index
        %get3A_876 = tpu.vector_load %arg14[%get3A_874, %get3A_875] {strides = array<i32>} : memref<80x128xf32, #tpu.memory_space<vmem>>, vector<16xf32>,
        %mul3A_877 = arith.mulf %get3A_876, %broadcast_in_dim3A_834 : vector<16xf32>
        %swap3A_878 = arith.index_cast %add3A_838 : i32 to index
        %swap3A_879 = arith.constant 80 : index
        %swap3A_880 = tpu.vector_load %arg14[%swap3A_878, %swap3A_879] {strides = array<i32>} : memref<80x128xf32, #tpu.memory_space<vmem>>, vector<16xf32>,
        tpu.vector_store %arg14[%swap3A_878, %swap3A_879], %mul3A_877 {strides = array<i32>} : memref<80x128xf32, #tpu.memory_space<vmem>>, vector<16xf32>,
        %get3A_881 = arith.index_cast %add3A_838 : i32 to index
        %get3A_882 = arith.constant 96 : index
        %get3A_883 = tpu.vector_load %arg14[%get3A_881, %get3A_882] {strides = array<i32>} : memref<80x128xf32, #tpu.memory_space<vmem>>, vector<16xf32>,
        %mul3A_884 = arith.mulf %get3A_883, %broadcast_in_dim3A_834 : vector<16xf32>
        %swap3A_885 = arith.index_cast %add3A_838 : i32 to index
        %swap3A_886 = arith.constant 96 : index
        %swap3A_887 = tpu.vector_load %arg14[%swap3A_885, %swap3A_886] {strides = array<i32>} : memref<80x128xf32, #tpu.memory_space<vmem>>, vector<16xf32>,
        tpu.vector_store %arg14[%swap3A_885, %swap3A_886], %mul3A_884 {strides = array<i32>} : memref<80x128xf32, #tpu.memory_space<vmem>>, vector<16xf32>,
        %get3A_888 = arith.index_cast %add3A_838 : i32 to index
        %get3A_889 = arith.constant 112 : index
        %get3A_890 = tpu.vector_load %arg14[%get3A_888, %get3A_889] {strides = array<i32>} : memref<80x128xf32, #tpu.memory_space<vmem>>, vector<16xf32>,
        %mul3A_891 = arith.mulf %get3A_890, %broadcast_in_dim3A_834 : vector<16xf32>
        %swap3A_892 = arith.index_cast %add3A_838 : i32 to index
        %swap3A_893 = arith.constant 112 : index
        %swap3A_894 = tpu.vector_load %arg14[%swap3A_892, %swap3A_893] {strides = array<i32>} : memref<80x128xf32, #tpu.memory_space<vmem>>, vector<16xf32>,
        tpu.vector_store %arg14[%swap3A_892, %swap3A_893], %mul3A_891 {strides = array<i32>} : memref<80x128xf32, #tpu.memory_space<vmem>>, vector<16xf32>,
        %slice3A_895 = vector.extract_strided_slice %exp3A {offsets = [13], sizes = [1], strides = [1]} : vector<16xf32> to vector<1xf32>
        %squeeze3A_896 = vector.extract %slice3A_895[0] : f32 from vector<1xf32>
        %broadcast_in_dim3A_897 = vector.broadcast %squeeze3A_896 : f32 to vector<16xf32>
        %mul3A_898 = arith.constant 16 : i32
        %mul3A_899 = arith.muli %scan3A_66, %mul3A_898 : i32
        %add3A_900 = arith.constant 13 : i32
        %add3A_901 = arith.addi %mul3A_899, %add3A_900 : i32
        %get3A_902 = arith.index_cast %add3A_901 : i32 to index
        %get3A_903 = arith.constant 0 : index
        %get3A_904 = tpu.vector_load %arg14[%get3A_902, %get3A_903] {strides = array<i32>} : memref<80x128xf32, #tpu.memory_space<vmem>>, vector<16xf32>,
        %mul3A_905 = arith.mulf %get3A_904, %broadcast_in_dim3A_897 : vector<16xf32>
        %swap3A_906 = arith.index_cast %add3A_901 : i32 to index
        %swap3A_907 = arith.constant 0 : index
        %swap3A_908 = tpu.vector_load %arg14[%swap3A_906, %swap3A_907] {strides = array<i32>} : memref<80x128xf32, #tpu.memory_space<vmem>>, vector<16xf32>,
        tpu.vector_store %arg14[%swap3A_906, %swap3A_907], %mul3A_905 {strides = array<i32>} : memref<80x128xf32, #tpu.memory_space<vmem>>, vector<16xf32>,
        %get3A_909 = arith.index_cast %add3A_901 : i32 to index
        %get3A_910 = arith.constant 16 : index
        %get3A_911 = tpu.vector_load %arg14[%get3A_909, %get3A_910] {strides = array<i32>} : memref<80x128xf32, #tpu.memory_space<vmem>>, vector<16xf32>,
        %mul3A_912 = arith.mulf %get3A_911, %broadcast_in_dim3A_897 : vector<16xf32>
        %swap3A_913 = arith.index_cast %add3A_901 : i32 to index
        %swap3A_914 = arith.constant 16 : index
        %swap3A_915 = tpu.vector_load %arg14[%swap3A_913, %swap3A_914] {strides = array<i32>} : memref<80x128xf32, #tpu.memory_space<vmem>>, vector<16xf32>,
        tpu.vector_store %arg14[%swap3A_913, %swap3A_914], %mul3A_912 {strides = array<i32>} : memref<80x128xf32, #tpu.memory_space<vmem>>, vector<16xf32>,
        %get3A_916 = arith.index_cast %add3A_901 : i32 to index
        %get3A_917 = arith.constant 32 : index
        %get3A_918 = tpu.vector_load %arg14[%get3A_916, %get3A_917] {strides = array<i32>} : memref<80x128xf32, #tpu.memory_space<vmem>>, vector<16xf32>,
        %mul3A_919 = arith.mulf %get3A_918, %broadcast_in_dim3A_897 : vector<16xf32>
        %swap3A_920 = arith.index_cast %add3A_901 : i32 to index
        %swap3A_921 = arith.constant 32 : index
        %swap3A_922 = tpu.vector_load %arg14[%swap3A_920, %swap3A_921] {strides = array<i32>} : memref<80x128xf32, #tpu.memory_space<vmem>>, vector<16xf32>,
        tpu.vector_store %arg14[%swap3A_920, %swap3A_921], %mul3A_919 {strides = array<i32>} : memref<80x128xf32, #tpu.memory_space<vmem>>, vector<16xf32>,
        %get3A_923 = arith.index_cast %add3A_901 : i32 to index
        %get3A_924 = arith.constant 48 : index
        %get3A_925 = tpu.vector_load %arg14[%get3A_923, %get3A_924] {strides = array<i32>} : memref<80x128xf32, #tpu.memory_space<vmem>>, vector<16xf32>,
        %mul3A_926 = arith.mulf %get3A_925, %broadcast_in_dim3A_897 : vector<16xf32>
        %swap3A_927 = arith.index_cast %add3A_901 : i32 to index
        %swap3A_928 = arith.constant 48 : index
        %swap3A_929 = tpu.vector_load %arg14[%swap3A_927, %swap3A_928] {strides = array<i32>} : memref<80x128xf32, #tpu.memory_space<vmem>>, vector<16xf32>,
        tpu.vector_store %arg14[%swap3A_927, %swap3A_928], %mul3A_926 {strides = array<i32>} : memref<80x128xf32, #tpu.memory_space<vmem>>, vector<16xf32>,
        %get3A_930 = arith.index_cast %add3A_901 : i32 to index
        %get3A_931 = arith.constant 64 : index
        %get3A_932 = tpu.vector_load %arg14[%get3A_930, %get3A_931] {strides = array<i32>} : memref<80x128xf32, #tpu.memory_space<vmem>>, vector<16xf32>,
        %mul3A_933 = arith.mulf %get3A_932, %broadcast_in_dim3A_897 : vector<16xf32>
        %swap3A_934 = arith.index_cast %add3A_901 : i32 to index
        %swap3A_935 = arith.constant 64 : index
        %swap3A_936 = tpu.vector_load %arg14[%swap3A_934, %swap3A_935] {strides = array<i32>} : memref<80x128xf32, #tpu.memory_space<vmem>>, vector<16xf32>,
        tpu.vector_store %arg14[%swap3A_934, %swap3A_935], %mul3A_933 {strides = array<i32>} : memref<80x128xf32, #tpu.memory_space<vmem>>, vector<16xf32>,
        %get3A_937 = arith.index_cast %add3A_901 : i32 to index
        %get3A_938 = arith.constant 80 : index
        %get3A_939 = tpu.vector_load %arg14[%get3A_937, %get3A_938] {strides = array<i32>} : memref<80x128xf32, #tpu.memory_space<vmem>>, vector<16xf32>,
        %mul3A_940 = arith.mulf %get3A_939, %broadcast_in_dim3A_897 : vector<16xf32>
        %swap3A_941 = arith.index_cast %add3A_901 : i32 to index
        %swap3A_942 = arith.constant 80 : index
        %swap3A_943 = tpu.vector_load %arg14[%swap3A_941, %swap3A_942] {strides = array<i32>} : memref<80x128xf32, #tpu.memory_space<vmem>>, vector<16xf32>,
        tpu.vector_store %arg14[%swap3A_941, %swap3A_942], %mul3A_940 {strides = array<i32>} : memref<80x128xf32, #tpu.memory_space<vmem>>, vector<16xf32>,
        %get3A_944 = arith.index_cast %add3A_901 : i32 to index
        %get3A_945 = arith.constant 96 : index
        %get3A_946 = tpu.vector_load %arg14[%get3A_944, %get3A_945] {strides = array<i32>} : memref<80x128xf32, #tpu.memory_space<vmem>>, vector<16xf32>,
        %mul3A_947 = arith.mulf %get3A_946, %broadcast_in_dim3A_897 : vector<16xf32>
        %swap3A_948 = arith.index_cast %add3A_901 : i32 to index
        %swap3A_949 = arith.constant 96 : index
        %swap3A_950 = tpu.vector_load %arg14[%swap3A_948, %swap3A_949] {strides = array<i32>} : memref<80x128xf32, #tpu.memory_space<vmem>>, vector<16xf32>,
        tpu.vector_store %arg14[%swap3A_948, %swap3A_949], %mul3A_947 {strides = array<i32>} : memref<80x128xf32, #tpu.memory_space<vmem>>, vector<16xf32>,
        %get3A_951 = arith.index_cast %add3A_901 : i32 to index
        %get3A_952 = arith.constant 112 : index
        %get3A_953 = tpu.vector_load %arg14[%get3A_951, %get3A_952] {strides = array<i32>} : memref<80x128xf32, #tpu.memory_space<vmem>>, vector<16xf32>,
        %mul3A_954 = arith.mulf %get3A_953, %broadcast_in_dim3A_897 : vector<16xf32>
        %swap3A_955 = arith.index_cast %add3A_901 : i32 to index
        %swap3A_956 = arith.constant 112 : index
        %swap3A_957 = tpu.vector_load %arg14[%swap3A_955, %swap3A_956] {strides = array<i32>} : memref<80x128xf32, #tpu.memory_space<vmem>>, vector<16xf32>,
        tpu.vector_store %arg14[%swap3A_955, %swap3A_956], %mul3A_954 {strides = array<i32>} : memref<80x128xf32, #tpu.memory_space<vmem>>, vector<16xf32>,
        %slice3A_958 = vector.extract_strided_slice %exp3A {offsets = [14], sizes = [1], strides = [1]} : vector<16xf32> to vector<1xf32>
        %squeeze3A_959 = vector.extract %slice3A_958[0] : f32 from vector<1xf32>
        %broadcast_in_dim3A_960 = vector.broadcast %squeeze3A_959 : f32 to vector<16xf32>
        %mul3A_961 = arith.constant 16 : i32
        %mul3A_962 = arith.muli %scan3A_66, %mul3A_961 : i32
        %add3A_963 = arith.constant 14 : i32
        %add3A_964 = arith.addi %mul3A_962, %add3A_963 : i32
        %get3A_965 = arith.index_cast %add3A_964 : i32 to index
        %get3A_966 = arith.constant 0 : index
        %get3A_967 = tpu.vector_load %arg14[%get3A_965, %get3A_966] {strides = array<i32>} : memref<80x128xf32, #tpu.memory_space<vmem>>, vector<16xf32>,
        %mul3A_968 = arith.mulf %get3A_967, %broadcast_in_dim3A_960 : vector<16xf32>
        %swap3A_969 = arith.index_cast %add3A_964 : i32 to index
        %swap3A_970 = arith.constant 0 : index
        %swap3A_971 = tpu.vector_load %arg14[%swap3A_969, %swap3A_970] {strides = array<i32>} : memref<80x128xf32, #tpu.memory_space<vmem>>, vector<16xf32>,
        tpu.vector_store %arg14[%swap3A_969, %swap3A_970], %mul3A_968 {strides = array<i32>} : memref<80x128xf32, #tpu.memory_space<vmem>>, vector<16xf32>,
        %get3A_972 = arith.index_cast %add3A_964 : i32 to index
        %get3A_973 = arith.constant 16 : index
        %get3A_974 = tpu.vector_load %arg14[%get3A_972, %get3A_973] {strides = array<i32>} : memref<80x128xf32, #tpu.memory_space<vmem>>, vector<16xf32>,
        %mul3A_975 = arith.mulf %get3A_974, %broadcast_in_dim3A_960 : vector<16xf32>
        %swap3A_976 = arith.index_cast %add3A_964 : i32 to index
        %swap3A_977 = arith.constant 16 : index
        %swap3A_978 = tpu.vector_load %arg14[%swap3A_976, %swap3A_977] {strides = array<i32>} : memref<80x128xf32, #tpu.memory_space<vmem>>, vector<16xf32>,
        tpu.vector_store %arg14[%swap3A_976, %swap3A_977], %mul3A_975 {strides = array<i32>} : memref<80x128xf32, #tpu.memory_space<vmem>>, vector<16xf32>,
        %get3A_979 = arith.index_cast %add3A_964 : i32 to index
        %get3A_980 = arith.constant 32 : index
        %get3A_981 = tpu.vector_load %arg14[%get3A_979, %get3A_980] {strides = array<i32>} : memref<80x128xf32, #tpu.memory_space<vmem>>, vector<16xf32>,
        %mul3A_982 = arith.mulf %get3A_981, %broadcast_in_dim3A_960 : vector<16xf32>
        %swap3A_983 = arith.index_cast %add3A_964 : i32 to index
        %swap3A_984 = arith.constant 32 : index
        %swap3A_985 = tpu.vector_load %arg14[%swap3A_983, %swap3A_984] {strides = array<i32>} : memref<80x128xf32, #tpu.memory_space<vmem>>, vector<16xf32>,
        tpu.vector_store %arg14[%swap3A_983, %swap3A_984], %mul3A_982 {strides = array<i32>} : memref<80x128xf32, #tpu.memory_space<vmem>>, vector<16xf32>,
        %get3A_986 = arith.index_cast %add3A_964 : i32 to index
        %get3A_987 = arith.constant 48 : index
        %get3A_988 = tpu.vector_load %arg14[%get3A_986, %get3A_987] {strides = array<i32>} : memref<80x128xf32, #tpu.memory_space<vmem>>, vector<16xf32>,
        %mul3A_989 = arith.mulf %get3A_988, %broadcast_in_dim3A_960 : vector<16xf32>
        %swap3A_990 = arith.index_cast %add3A_964 : i32 to index
        %swap3A_991 = arith.constant 48 : index
        %swap3A_992 = tpu.vector_load %arg14[%swap3A_990, %swap3A_991] {strides = array<i32>} : memref<80x128xf32, #tpu.memory_space<vmem>>, vector<16xf32>,
        tpu.vector_store %arg14[%swap3A_990, %swap3A_991], %mul3A_989 {strides = array<i32>} : memref<80x128xf32, #tpu.memory_space<vmem>>, vector<16xf32>,
        %get3A_993 = arith.index_cast %add3A_964 : i32 to index
        %get3A_994 = arith.constant 64 : index
        %get3A_995 = tpu.vector_load %arg14[%get3A_993, %get3A_994] {strides = array<i32>} : memref<80x128xf32, #tpu.memory_space<vmem>>, vector<16xf32>,
        %mul3A_996 = arith.mulf %get3A_995, %broadcast_in_dim3A_960 : vector<16xf32>
        %swap3A_997 = arith.index_cast %add3A_964 : i32 to index
        %swap3A_998 = arith.constant 64 : index
        %swap3A_999 = tpu.vector_load %arg14[%swap3A_997, %swap3A_998] {strides = array<i32>} : memref<80x128xf32, #tpu.memory_space<vmem>>, vector<16xf32>,
        tpu.vector_store %arg14[%swap3A_997, %swap3A_998], %mul3A_996 {strides = array<i32>} : memref<80x128xf32, #tpu.memory_space<vmem>>, vector<16xf32>,
        %get3A_1000 = arith.index_cast %add3A_964 : i32 to index
        %get3A_1001 = arith.constant 80 : index
        %get3A_1002 = tpu.vector_load %arg14[%get3A_1000, %get3A_1001] {strides = array<i32>} : memref<80x128xf32, #tpu.memory_space<vmem>>, vector<16xf32>,
        %mul3A_1003 = arith.mulf %get3A_1002, %broadcast_in_dim3A_960 : vector<16xf32>
        %swap3A_1004 = arith.index_cast %add3A_964 : i32 to index
        %swap3A_1005 = arith.constant 80 : index
        %swap3A_1006 = tpu.vector_load %arg14[%swap3A_1004, %swap3A_1005] {strides = array<i32>} : memref<80x128xf32, #tpu.memory_space<vmem>>, vector<16xf32>,
        tpu.vector_store %arg14[%swap3A_1004, %swap3A_1005], %mul3A_1003 {strides = array<i32>} : memref<80x128xf32, #tpu.memory_space<vmem>>, vector<16xf32>,
        %get3A_1007 = arith.index_cast %add3A_964 : i32 to index
        %get3A_1008 = arith.constant 96 : index
        %get3A_1009 = tpu.vector_load %arg14[%get3A_1007, %get3A_1008] {strides = array<i32>} : memref<80x128xf32, #tpu.memory_space<vmem>>, vector<16xf32>,
        %mul3A_1010 = arith.mulf %get3A_1009, %broadcast_in_dim3A_960 : vector<16xf32>
        %swap3A_1011 = arith.index_cast %add3A_964 : i32 to index
        %swap3A_1012 = arith.constant 96 : index
        %swap3A_1013 = tpu.vector_load %arg14[%swap3A_1011, %swap3A_1012] {strides = array<i32>} : memref<80x128xf32, #tpu.memory_space<vmem>>, vector<16xf32>,
        tpu.vector_store %arg14[%swap3A_1011, %swap3A_1012], %mul3A_1010 {strides = array<i32>} : memref<80x128xf32, #tpu.memory_space<vmem>>, vector<16xf32>,
        %get3A_1014 = arith.index_cast %add3A_964 : i32 to index
        %get3A_1015 = arith.constant 112 : index
        %get3A_1016 = tpu.vector_load %arg14[%get3A_1014, %get3A_1015] {strides = array<i32>} : memref<80x128xf32, #tpu.memory_space<vmem>>, vector<16xf32>,
        %mul3A_1017 = arith.mulf %get3A_1016, %broadcast_in_dim3A_960 : vector<16xf32>
        %swap3A_1018 = arith.index_cast %add3A_964 : i32 to index
        %swap3A_1019 = arith.constant 112 : index
        %swap3A_1020 = tpu.vector_load %arg14[%swap3A_1018, %swap3A_1019] {strides = array<i32>} : memref<80x128xf32, #tpu.memory_space<vmem>>, vector<16xf32>,
        tpu.vector_store %arg14[%swap3A_1018, %swap3A_1019], %mul3A_1017 {strides = array<i32>} : memref<80x128xf32, #tpu.memory_space<vmem>>, vector<16xf32>,
        %slice3A_1021 = vector.extract_strided_slice %exp3A {offsets = [15], sizes = [1], strides = [1]} : vector<16xf32> to vector<1xf32>
        %squeeze3A_1022 = vector.extract %slice3A_1021[0] : f32 from vector<1xf32>
        %broadcast_in_dim3A_1023 = vector.broadcast %squeeze3A_1022 : f32 to vector<16xf32>
        %mul3A_1024 = arith.constant 16 : i32
        %mul3A_1025 = arith.muli %scan3A_66, %mul3A_1024 : i32
        %add3A_1026 = arith.constant 15 : i32
        %add3A_1027 = arith.addi %mul3A_1025, %add3A_1026 : i32
        %get3A_1028 = arith.index_cast %add3A_1027 : i32 to index
        %get3A_1029 = arith.constant 0 : index
        %get3A_1030 = tpu.vector_load %arg14[%get3A_1028, %get3A_1029] {strides = array<i32>} : memref<80x128xf32, #tpu.memory_space<vmem>>, vector<16xf32>,
        %mul3A_1031 = arith.mulf %get3A_1030, %broadcast_in_dim3A_1023 : vector<16xf32>
        %swap3A_1032 = arith.index_cast %add3A_1027 : i32 to index
        %swap3A_1033 = arith.constant 0 : index
        %swap3A_1034 = tpu.vector_load %arg14[%swap3A_1032, %swap3A_1033] {strides = array<i32>} : memref<80x128xf32, #tpu.memory_space<vmem>>, vector<16xf32>,
        tpu.vector_store %arg14[%swap3A_1032, %swap3A_1033], %mul3A_1031 {strides = array<i32>} : memref<80x128xf32, #tpu.memory_space<vmem>>, vector<16xf32>,
        %get3A_1035 = arith.index_cast %add3A_1027 : i32 to index
        %get3A_1036 = arith.constant 16 : index
        %get3A_1037 = tpu.vector_load %arg14[%get3A_1035, %get3A_1036] {strides = array<i32>} : memref<80x128xf32, #tpu.memory_space<vmem>>, vector<16xf32>,
        %mul3A_1038 = arith.mulf %get3A_1037, %broadcast_in_dim3A_1023 : vector<16xf32>
        %swap3A_1039 = arith.index_cast %add3A_1027 : i32 to index
        %swap3A_1040 = arith.constant 16 : index
        %swap3A_1041 = tpu.vector_load %arg14[%swap3A_1039, %swap3A_1040] {strides = array<i32>} : memref<80x128xf32, #tpu.memory_space<vmem>>, vector<16xf32>,
        tpu.vector_store %arg14[%swap3A_1039, %swap3A_1040], %mul3A_1038 {strides = array<i32>} : memref<80x128xf32, #tpu.memory_space<vmem>>, vector<16xf32>,
        %get3A_1042 = arith.index_cast %add3A_1027 : i32 to index
        %get3A_1043 = arith.constant 32 : index
        %get3A_1044 = tpu.vector_load %arg14[%get3A_1042, %get3A_1043] {strides = array<i32>} : memref<80x128xf32, #tpu.memory_space<vmem>>, vector<16xf32>,
        %mul3A_1045 = arith.mulf %get3A_1044, %broadcast_in_dim3A_1023 : vector<16xf32>
        %swap3A_1046 = arith.index_cast %add3A_1027 : i32 to index
        %swap3A_1047 = arith.constant 32 : index
        %swap3A_1048 = tpu.vector_load %arg14[%swap3A_1046, %swap3A_1047] {strides = array<i32>} : memref<80x128xf32, #tpu.memory_space<vmem>>, vector<16xf32>,
        tpu.vector_store %arg14[%swap3A_1046, %swap3A_1047], %mul3A_1045 {strides = array<i32>} : memref<80x128xf32, #tpu.memory_space<vmem>>, vector<16xf32>,
        %get3A_1049 = arith.index_cast %add3A_1027 : i32 to index
        %get3A_1050 = arith.constant 48 : index
        %get3A_1051 = tpu.vector_load %arg14[%get3A_1049, %get3A_1050] {strides = array<i32>} : memref<80x128xf32, #tpu.memory_space<vmem>>, vector<16xf32>,
        %mul3A_1052 = arith.mulf %get3A_1051, %broadcast_in_dim3A_1023 : vector<16xf32>
        %swap3A_1053 = arith.index_cast %add3A_1027 : i32 to index
        %swap3A_1054 = arith.constant 48 : index
        %swap3A_1055 = tpu.vector_load %arg14[%swap3A_1053, %swap3A_1054] {strides = array<i32>} : memref<80x128xf32, #tpu.memory_space<vmem>>, vector<16xf32>,
        tpu.vector_store %arg14[%swap3A_1053, %swap3A_1054], %mul3A_1052 {strides = array<i32>} : memref<80x128xf32, #tpu.memory_space<vmem>>, vector<16xf32>,
        %get3A_1056 = arith.index_cast %add3A_1027 : i32 to index
        %get3A_1057 = arith.constant 64 : index
        %get3A_1058 = tpu.vector_load %arg14[%get3A_1056, %get3A_1057] {strides = array<i32>} : memref<80x128xf32, #tpu.memory_space<vmem>>, vector<16xf32>,
        %mul3A_1059 = arith.mulf %get3A_1058, %broadcast_in_dim3A_1023 : vector<16xf32>
        %swap3A_1060 = arith.index_cast %add3A_1027 : i32 to index
        %swap3A_1061 = arith.constant 64 : index
        %swap3A_1062 = tpu.vector_load %arg14[%swap3A_1060, %swap3A_1061] {strides = array<i32>} : memref<80x128xf32, #tpu.memory_space<vmem>>, vector<16xf32>,
        tpu.vector_store %arg14[%swap3A_1060, %swap3A_1061], %mul3A_1059 {strides = array<i32>} : memref<80x128xf32, #tpu.memory_space<vmem>>, vector<16xf32>,
        %get3A_1063 = arith.index_cast %add3A_1027 : i32 to index
        %get3A_1064 = arith.constant 80 : index
        %get3A_1065 = tpu.vector_load %arg14[%get3A_1063, %get3A_1064] {strides = array<i32>} : memref<80x128xf32, #tpu.memory_space<vmem>>, vector<16xf32>,
        %mul3A_1066 = arith.mulf %get3A_1065, %broadcast_in_dim3A_1023 : vector<16xf32>
        %swap3A_1067 = arith.index_cast %add3A_1027 : i32 to index
        %swap3A_1068 = arith.constant 80 : index
        %swap3A_1069 = tpu.vector_load %arg14[%swap3A_1067, %swap3A_1068] {strides = array<i32>} : memref<80x128xf32, #tpu.memory_space<vmem>>, vector<16xf32>,
        tpu.vector_store %arg14[%swap3A_1067, %swap3A_1068], %mul3A_1066 {strides = array<i32>} : memref<80x128xf32, #tpu.memory_space<vmem>>, vector<16xf32>,
        %get3A_1070 = arith.index_cast %add3A_1027 : i32 to index
        %get3A_1071 = arith.constant 96 : index
        %get3A_1072 = tpu.vector_load %arg14[%get3A_1070, %get3A_1071] {strides = array<i32>} : memref<80x128xf32, #tpu.memory_space<vmem>>, vector<16xf32>,
        %mul3A_1073 = arith.mulf %get3A_1072, %broadcast_in_dim3A_1023 : vector<16xf32>
        %swap3A_1074 = arith.index_cast %add3A_1027 : i32 to index
        %swap3A_1075 = arith.constant 96 : index
        %swap3A_1076 = tpu.vector_load %arg14[%swap3A_1074, %swap3A_1075] {strides = array<i32>} : memref<80x128xf32, #tpu.memory_space<vmem>>, vector<16xf32>,
        tpu.vector_store %arg14[%swap3A_1074, %swap3A_1075], %mul3A_1073 {strides = array<i32>} : memref<80x128xf32, #tpu.memory_space<vmem>>, vector<16xf32>,
        %get3A_1077 = arith.index_cast %add3A_1027 : i32 to index
        %get3A_1078 = arith.constant 112 : index
        %get3A_1079 = tpu.vector_load %arg14[%get3A_1077, %get3A_1078] {strides = array<i32>} : memref<80x128xf32, #tpu.memory_space<vmem>>, vector<16xf32>,
        %mul3A_1080 = arith.mulf %get3A_1079, %broadcast_in_dim3A_1023 : vector<16xf32>
        %swap3A_1081 = arith.index_cast %add3A_1027 : i32 to index
        %swap3A_1082 = arith.constant 112 : index
        %swap3A_1083 = tpu.vector_load %arg14[%swap3A_1081, %swap3A_1082] {strides = array<i32>} : memref<80x128xf32, #tpu.memory_space<vmem>>, vector<16xf32>,
        tpu.vector_store %arg14[%swap3A_1081, %swap3A_1082], %mul3A_1080 {strides = array<i32>} : memref<80x128xf32, #tpu.memory_space<vmem>>, vector<16xf32>,
      }
      %scan3A_65 = arith.constant 5 : i32
      "tpu.region"() ({
        %run_scoped3A = tpu.sem_alloc : memref<!tpu.dma_semaphore, #tpu.memory_space<semaphore_mem>>
        %dma_start3A_66 = arith.constant 0 : i32
        %dma_start3A_67 = arith.constant 0 : i32
        %dma_start3A_68 = tpu.memref_slice %arg16[%dma_start3A_66, %dma_start3A_67] : memref<10240x128xf32, #tpu.memory_space<vmem_shared>> -> memref<10240x128xf32, #tpu.memory_space<vmem_shared>>
        tpu.enqueue_indirect_dma source(%arg14 : memref<80x128xf32, #tpu.memory_space<vmem>>) target(%dma_start3A_68 : memref<10240x128xf32, #tpu.memory_space<vmem_shared>>) offsets(%arg12 : memref<80xi32, #tpu.memory_space<vmem>>) semaphore(%run_scoped3A : memref<!tpu.dma_semaphore, #tpu.memory_space<semaphore_mem>>) {add = true}
        %dma_wait3A_69 = arith.constant 0 : i32
        %dma_wait3A_70 = arith.constant 0 : i32
        %dma_wait3A_71 = tpu.memref_slice %arg16[%dma_wait3A_69, %dma_wait3A_70] : memref<10240x128xf32, #tpu.memory_space<vmem_shared>> -> memref<10240x128xf32, #tpu.memory_space<vmem_shared>>
        tpu.wait_indirect_dma semaphore(%run_scoped3A : memref<!tpu.dma_semaphore, #tpu.memory_space<semaphore_mem>>) src(%arg14 : memref<80x128xf32, #tpu.memory_space<vmem>>) dst(%dma_wait3A_71 : memref<10240x128xf32, #tpu.memory_space<vmem_shared>>)
        tpu.yield
      }) : () -> ()
    }
    %scan3A_47 = arith.constant 125 : i32
    %barrier3A_48 = arith.constant 0 : index
    tpu.barrier barrier_id(%barrier3A_48)
    %mul3A_49 = arith.constant 640 : i32
    %mul3A_50 = arith.muli %arg1, %mul3A_49 : i32
    "tpu.region"() ({
      %run_scoped3A = tpu.sem_alloc : memref<!tpu.dma_semaphore, #tpu.memory_space<semaphore_mem>>
      %dma_start3A = arith.constant 0 : i32
      %dma_start3A_51 = tpu.memref_slice %arg7[%arg0, %mul3A_50, %dma_start3A] : memref<2x10240x128xf32, #tpu.memory_space<hbm>> -> memref<1x640x128xf32, #tpu.memory_space<hbm>>
      %dma_start3A_52 = tpu.memref_squeeze %dma_start3A_51 : memref<1x640x128xf32, #tpu.memory_space<hbm>> -> memref<640x128xf32, #tpu.memory_space<hbm>>
      %dma_start3A_53 = arith.constant 0 : i32
      %dma_start3A_54 = tpu.memref_slice %arg16[%mul3A_50, %dma_start3A_53] : memref<10240x128xf32, #tpu.memory_space<vmem_shared>> -> memref<640x128xf32, #tpu.memory_space<vmem_shared>>
      tpu.enqueue_dma source(%dma_start3A_54 : memref<640x128xf32, #tpu.memory_space<vmem_shared>>) target(%dma_start3A_52 : memref<640x128xf32, #tpu.memory_space<hbm>>) target_semaphore(%run_scoped3A : memref<!tpu.dma_semaphore, #tpu.memory_space<semaphore_mem>>)
      %dma_wait3A = arith.constant 0 : i32
      %dma_wait3A_55 = tpu.memref_slice %arg7[%arg0, %mul3A_50, %dma_wait3A] : memref<2x10240x128xf32, #tpu.memory_space<hbm>> -> memref<1x640x128xf32, #tpu.memory_space<hbm>>
      %dma_wait3A_56 = tpu.memref_squeeze %dma_wait3A_55 : memref<1x640x128xf32, #tpu.memory_space<hbm>> -> memref<640x128xf32, #tpu.memory_space<hbm>>
      %dma_wait3A_57 = arith.constant 0 : i32
      %dma_wait3A_58 = tpu.memref_slice %arg16[%mul3A_50, %dma_wait3A_57] : memref<10240x128xf32, #tpu.memory_space<vmem_shared>> -> memref<640x128xf32, #tpu.memory_space<vmem_shared>>
      tpu.wait_dma2 semaphore(%run_scoped3A : memref<!tpu.dma_semaphore, #tpu.memory_space<semaphore_mem>>) src(%dma_wait3A_58 : memref<640x128xf32, #tpu.memory_space<vmem_shared>>) dst(%dma_wait3A_56 : memref<640x128xf32, #tpu.memory_space<hbm>>)
      tpu.yield
    }) : () -> ()
    "tpu.region"() ({
      %run_scoped3A = tpu.sem_alloc : memref<!tpu.dma_semaphore, #tpu.memory_space<semaphore_mem>>
      %dma_start3A = arith.constant 0 : i32
      %dma_start3A_51 = tpu.memref_slice %arg8[%arg0, %arg1, %dma_start3A] : memref<2x16x10240xf32, #tpu.memory_space<hbm>> -> memref<1x1x10240xf32, #tpu.memory_space<hbm>>
      %dma_start3A_52 = tpu.memref_squeeze %dma_start3A_51 : memref<1x1x10240xf32, #tpu.memory_space<hbm>> -> memref<10240xf32, #tpu.memory_space<hbm>>
      %dma_start3A_53 = arith.constant 0 : i32
      %dma_start3A_54 = tpu.memref_slice %arg8[%arg0, %arg1, %dma_start3A_53] : memref<2x16x10240xf32, #tpu.memory_space<hbm>> -> memref<1x1x10240xf32, #tpu.memory_space<hbm>>
      %dma_start3A_55 = tpu.memref_squeeze %dma_start3A_54 : memref<1x1x10240xf32, #tpu.memory_space<hbm>> -> memref<10240xf32, #tpu.memory_space<hbm>>
      tpu.enqueue_dma source(%arg13 : memref<10240xf32, #tpu.memory_space<vmem>>) target(%dma_start3A_55 : memref<10240xf32, #tpu.memory_space<hbm>>) target_semaphore(%run_scoped3A : memref<!tpu.dma_semaphore, #tpu.memory_space<semaphore_mem>>)
      %dma_wait3A = arith.constant 0 : i32
      %dma_wait3A_56 = tpu.memref_slice %arg8[%arg0, %arg1, %dma_wait3A] : memref<2x16x10240xf32, #tpu.memory_space<hbm>> -> memref<1x1x10240xf32, #tpu.memory_space<hbm>>
      %dma_wait3A_57 = tpu.memref_squeeze %dma_wait3A_56 : memref<1x1x10240xf32, #tpu.memory_space<hbm>> -> memref<10240xf32, #tpu.memory_space<hbm>>
      %dma_wait3A_58 = arith.constant 0 : i32
      %dma_wait3A_59 = tpu.memref_slice %arg8[%arg0, %arg1, %dma_wait3A_58] : memref<2x16x10240xf32, #tpu.memory_space<hbm>> -> memref<1x1x10240xf32, #tpu.memory_space<hbm>>
      %dma_wait3A_60 = tpu.memref_squeeze %dma_wait3A_59 : memref<1x1x10240xf32, #tpu.memory_space<hbm>> -> memref<10240xf32, #tpu.memory_space<hbm>>
      tpu.wait_dma2 semaphore(%run_scoped3A : memref<!tpu.dma_semaphore, #tpu.memory_space<semaphore_mem>>) src(%arg13 : memref<10240xf32, #tpu.memory_space<vmem>>) dst(%dma_wait3A_60 : memref<10240xf32, #tpu.memory_space<hbm>>)
      tpu.yield
    }) : () -> ()
    return
  }
}

module attributes {stable_mosaic.version = 14 : i64} {
  func.func @_pre_body(%arg0: i32, %arg1: memref<1024x128xf32, #tpu.memory_space<vmem>>, %arg2: memref<128x128xf32, #tpu.memory_space<vmem>>, %arg3: memref<1x128xf32, #tpu.memory_space<vmem>>, %arg4: memref<128x8xf32, #tpu.memory_space<vmem>>, %arg5: memref<1024x128xf32, #tpu.memory_space<vmem>>, %arg6: memref<1024x8xf32, #tpu.memory_space<vmem>>) attributes {dimension_semantics = [#tpu.dimension_semantics<arbitrary>], iteration_bounds = array<i64: 10>, scalar_prefetch = 0 : i64, scratch_operands = 0 : i64, tpu.core_type = #tpu.core_type<tc>, window_params = [{transform_indices = @transform_0, window_bounds = array<i64: 1024, 128>}, {pipeline_mode = #tpu.pipeline_mode<synchronous>, transform_indices = @transform_1, window_bounds = array<i64: 128, 128>}, {pipeline_mode = #tpu.pipeline_mode<synchronous>, transform_indices = @transform_2, window_bounds = array<i64: 1, 128>}, {pipeline_mode = #tpu.pipeline_mode<synchronous>, transform_indices = @transform_3, window_bounds = array<i64: 128, 8>}, {transform_indices = @transform_4, window_bounds = array<i64: 1024, 128>}, {transform_indices = @transform_5, window_bounds = array<i64: 1024, 8>}]} {
    %get3A = arith.constant 0 : index
    %get3A_0 = arith.constant 0 : index
    %get3A_1 = vector.load %arg1[%get3A, %get3A_0] : memref<1024x128xf32, #tpu.memory_space<vmem>>, vector<1024x128xf32>
    %get3A_2 = arith.constant 0 : index
    %get3A_3 = arith.constant 0 : index
    %get3A_4 = vector.load %arg2[%get3A_2, %get3A_3] : memref<128x128xf32, #tpu.memory_space<vmem>>, vector<128x128xf32>
    %dot_general3A = arith.constant dense<0.000000e+00> : vector<1024x128xf32>
    %dot_general3A_5 = tpu.matmul %get3A_1, %get3A_4, %dot_general3A {dimension_numbers = #tpu.dot_dimension_numbers<[1], [0], [0], [1], [0, 0, 1, 1], [], []>, transpose_lhs_hint = false} : vector<1024x128xf32>, vector<128x128xf32>, vector<1024x128xf32> -> vector<1024x128xf32>
    %get3A_6 = arith.constant 0 : index
    %get3A_7 = arith.constant 0 : index
    %get3A_8 = vector.load %arg3[%get3A_6, %get3A_7] : memref<1x128xf32, #tpu.memory_space<vmem>>, vector<1x128xf32>
    %add3A = vector.broadcast %get3A_8 : vector<1x128xf32> to vector<1024x128xf32>
    %add3A_9 = arith.addf %dot_general3A_5, %add3A : vector<1024x128xf32>
    %swap3A = arith.constant 0 : index
    %swap3A_10 = arith.constant 0 : index
    %swap3A_11 = vector.load %arg5[%swap3A, %swap3A_10] : memref<1024x128xf32, #tpu.memory_space<vmem>>, vector<1024x128xf32>
    tpu.vector_store %arg5[%swap3A, %swap3A_10], %add3A_9 {strides = array<i32>} : memref<1024x128xf32, #tpu.memory_space<vmem>>, vector<1024x128xf32>,
    %get3A_12 = arith.constant 0 : index
    %get3A_13 = arith.constant 0 : index
    %get3A_14 = vector.load %arg4[%get3A_12, %get3A_13] : memref<128x8xf32, #tpu.memory_space<vmem>>, vector<128x8xf32>
    %dot_general3A_15 = arith.constant dense<0.000000e+00> : vector<1024x8xf32>
    %dot_general3A_16 = tpu.matmul %get3A_1, %get3A_14, %dot_general3A_15 {dimension_numbers = #tpu.dot_dimension_numbers<[1], [0], [0], [1], [0, 0, 1, 1], [], []>, transpose_lhs_hint = false} : vector<1024x128xf32>, vector<128x8xf32>, vector<1024x8xf32> -> vector<1024x8xf32>
    %swap3A_17 = arith.constant 0 : index
    %swap3A_18 = arith.constant 0 : index
    %swap3A_19 = vector.load %arg6[%swap3A_17, %swap3A_18] : memref<1024x8xf32, #tpu.memory_space<vmem>>, vector<1024x8xf32>
    tpu.vector_store %arg6[%swap3A_17, %swap3A_18], %dot_general3A_16 {strides = array<i32>} : memref<1024x8xf32, #tpu.memory_space<vmem>>, vector<1024x8xf32>,
    return
  }
  func.func @transform_0(%arg0: i32) -> (i32, i32) {
    %c0_i32 = arith.constant 0 : i32
    %c0_i32_0 = arith.constant 0 : i32
    return %arg0, %c0_i32 : i32, i32
  }
  func.func @transform_1(%arg0: i32) -> (i32, i32) {
    %c0_i32 = arith.constant 0 : i32
    %c0_i32_0 = arith.constant 0 : i32
    %c0_i32_1 = arith.constant 0 : i32
    return %c0_i32, %c0_i32_0 : i32, i32
  }
  func.func @transform_2(%arg0: i32) -> (i32, i32) {
    %c0_i32 = arith.constant 0 : i32
    %c0_i32_0 = arith.constant 0 : i32
    %c0_i32_1 = arith.constant 0 : i32
    return %c0_i32, %c0_i32_0 : i32, i32
  }
  func.func @transform_3(%arg0: i32) -> (i32, i32) {
    %c0_i32 = arith.constant 0 : i32
    %c0_i32_0 = arith.constant 0 : i32
    %c0_i32_1 = arith.constant 0 : i32
    return %c0_i32, %c0_i32_0 : i32, i32
  }
  func.func @transform_4(%arg0: i32) -> (i32, i32) {
    %c0_i32 = arith.constant 0 : i32
    %c0_i32_0 = arith.constant 0 : i32
    return %arg0, %c0_i32 : i32, i32
  }
  func.func @transform_5(%arg0: i32) -> (i32, i32) {
    %c0_i32 = arith.constant 0 : i32
    %c0_i32_0 = arith.constant 0 : i32
    return %arg0, %c0_i32 : i32, i32
  }
}

module attributes {stable_mosaic.version = 14 : i64} {
  func.func @_post_body(%arg0: i32, %arg1: memref<1024x128xf32, #tpu.memory_space<vmem>>, %arg2: memref<1024x128xf32, #tpu.memory_space<vmem>>, %arg3: memref<1024x128xf32, #tpu.memory_space<vmem>>, %arg4: memref<32x1024xf32, #tpu.memory_space<vmem>>, %arg5: memref<128x384xf32, #tpu.memory_space<vmem>>, %arg6: memref<1x384xf32, #tpu.memory_space<vmem>>, %arg7: memref<128x384xf32, #tpu.memory_space<vmem>>, %arg8: memref<1x384xf32, #tpu.memory_space<vmem>>, %arg9: memref<1024x128xf32, #tpu.memory_space<vmem>>) attributes {dimension_semantics = [#tpu.dimension_semantics<arbitrary>], iteration_bounds = array<i64: 10>, scalar_prefetch = 0 : i64, scratch_operands = 0 : i64, tpu.core_type = #tpu.core_type<tc>, window_params = [{transform_indices = @transform_0, window_bounds = array<i64: 1024, 128>}, {transform_indices = @transform_1, window_bounds = array<i64: 1024, 128>}, {transform_indices = @transform_2, window_bounds = array<i64: 1024, 128>}, {transform_indices = @transform_3, window_bounds = array<i64: 32, 1024>}, {pipeline_mode = #tpu.pipeline_mode<synchronous>, transform_indices = @transform_4, window_bounds = array<i64: 128, 384>}, {pipeline_mode = #tpu.pipeline_mode<synchronous>, transform_indices = @transform_5, window_bounds = array<i64: 1, 384>}, {pipeline_mode = #tpu.pipeline_mode<synchronous>, transform_indices = @transform_6, window_bounds = array<i64: 128, 384>}, {pipeline_mode = #tpu.pipeline_mode<synchronous>, transform_indices = @transform_7, window_bounds = array<i64: 1, 384>}, {transform_indices = @transform_8, window_bounds = array<i64: 1024, 128>}]} {
    %get3A = arith.constant 0 : index
    %get3A_0 = arith.constant 0 : index
    %get3A_1 = vector.load %arg1[%get3A, %get3A_0] : memref<1024x128xf32, #tpu.memory_space<vmem>>, vector<1024x128xf32>
    %get3A_2 = arith.constant 0 : index
    %get3A_3 = arith.constant 0 : index
    %get3A_4 = vector.load %arg4[%get3A_2, %get3A_3] : memref<32x1024xf32, #tpu.memory_space<vmem>>, vector<32x1024xf32>
    %reduce_sum3A = arith.constant dense<0.000000e+00> : vector<1024xf32>
    %reduce_sum3A_5 = vector.multi_reduction <add>, %get3A_4, %reduce_sum3A [0] : vector<32x1024xf32> to vector<1024xf32>
    %broadcast_in_dim3A = vector.shape_cast %reduce_sum3A_5 : vector<1024xf32> to vector<1024x1xf32>
    %max3A = arith.constant 1.000000e-30 : f32
    %max3A_6 = vector.broadcast %max3A : f32 to vector<1024x1xf32>
    %max3A_7 = arith.maximumf %broadcast_in_dim3A, %max3A_6 : vector<1024x1xf32>
    %div3A = arith.constant 1.000000e+00 : f32
    %div3A_8 = vector.broadcast %div3A : f32 to vector<1024x1xf32>
    %div3A_9 = arith.divf %div3A_8, %max3A_7 : vector<1024x1xf32>
    %get3A_10 = arith.constant 0 : index
    %get3A_11 = arith.constant 0 : index
    %get3A_12 = vector.load %arg2[%get3A_10, %get3A_11] : memref<1024x128xf32, #tpu.memory_space<vmem>>, vector<1024x128xf32>
    %get3A_13 = arith.constant 0 : index
    %get3A_14 = arith.constant 0 : index
    %get3A_15 = vector.load %arg3[%get3A_13, %get3A_14] : memref<1024x128xf32, #tpu.memory_space<vmem>>, vector<1024x128xf32>
    %add3A = arith.addf %get3A_12, %get3A_15 : vector<1024x128xf32>
    %mul3A = vector.broadcast %div3A_9 : vector<1024x1xf32> to vector<1024x128xf32>
    %mul3A_16 = arith.mulf %add3A, %mul3A : vector<1024x128xf32>
    %gt3A = arith.constant 0.000000e+00 : f32
    %gt3A_17 = vector.broadcast %gt3A : f32 to vector<1024x128xf32>
    %gt3A_18 = arith.cmpf ogt, %mul3A_16, %gt3A_17 : vector<1024x128xf32>
    %exp3A = math.exp %mul3A_16 : vector<1024x128xf32>
    %sub3A = arith.constant 1.000000e+00 : f32
    %sub3A_19 = vector.broadcast %sub3A : f32 to vector<1024x128xf32>
    %sub3A_20 = arith.subf %exp3A, %sub3A_19 : vector<1024x128xf32>
    %select_n3A = arith.select %gt3A_18, %mul3A_16, %sub3A_20 : vector<1024x128xi1>, vector<1024x128xf32>
    %get3A_21 = arith.constant 0 : index
    %get3A_22 = arith.constant 0 : index
    %get3A_23 = vector.load %arg5[%get3A_21, %get3A_22] : memref<128x384xf32, #tpu.memory_space<vmem>>, vector<128x384xf32>
    %dot_general3A = arith.constant dense<0.000000e+00> : vector<1024x384xf32>
    %dot_general3A_24 = tpu.matmul %select_n3A, %get3A_23, %dot_general3A {dimension_numbers = #tpu.dot_dimension_numbers<[1], [0], [0], [1], [0, 0, 1, 1], [], []>, transpose_lhs_hint = false} : vector<1024x128xf32>, vector<128x384xf32>, vector<1024x384xf32> -> vector<1024x384xf32>
    %get3A_25 = arith.constant 0 : index
    %get3A_26 = arith.constant 0 : index
    %get3A_27 = vector.load %arg6[%get3A_25, %get3A_26] : memref<1x384xf32, #tpu.memory_space<vmem>>, vector<1x384xf32>
    %add3A_28 = vector.broadcast %get3A_27 : vector<1x384xf32> to vector<1024x384xf32>
    %add3A_29 = arith.addf %dot_general3A_24, %add3A_28 : vector<1024x384xf32>
    %get3A_30 = arith.constant 0 : index
    %get3A_31 = arith.constant 0 : index
    %get3A_32 = vector.load %arg7[%get3A_30, %get3A_31] : memref<128x384xf32, #tpu.memory_space<vmem>>, vector<128x384xf32>
    %dot_general3A_33 = arith.constant dense<0.000000e+00> : vector<1024x384xf32>
    %dot_general3A_34 = tpu.matmul %get3A_1, %get3A_32, %dot_general3A_33 {dimension_numbers = #tpu.dot_dimension_numbers<[1], [0], [0], [1], [0, 0, 1, 1], [], []>, transpose_lhs_hint = false} : vector<1024x128xf32>, vector<128x384xf32>, vector<1024x384xf32> -> vector<1024x384xf32>
    %get3A_35 = arith.constant 0 : index
    %get3A_36 = arith.constant 0 : index
    %get3A_37 = vector.load %arg8[%get3A_35, %get3A_36] : memref<1x384xf32, #tpu.memory_space<vmem>>, vector<1x384xf32>
    %add3A_38 = vector.broadcast %get3A_37 : vector<1x384xf32> to vector<1024x384xf32>
    %add3A_39 = arith.addf %dot_general3A_34, %add3A_38 : vector<1024x384xf32>
    %slice3A = vector.extract_strided_slice %add3A_29 {offsets = [0, 0], sizes = [1024, 128], strides = [1, 1]} : vector<1024x384xf32> to vector<1024x128xf32>
    %slice3A_40 = vector.extract_strided_slice %add3A_39 {offsets = [0, 0], sizes = [1024, 128], strides = [1, 1]} : vector<1024x384xf32> to vector<1024x128xf32>
    %add3A_41 = arith.addf %slice3A, %slice3A_40 : vector<1024x128xf32>
    %logistic3A = arith.negf %add3A_41 : vector<1024x128xf32>
    %logistic3A_42 = math.exp %logistic3A : vector<1024x128xf32>
    %logistic3A_43 = arith.constant 1.000000e+00 : f32
    %logistic3A_44 = vector.broadcast %logistic3A_43 : f32 to vector<1024x128xf32>
    %logistic3A_45 = arith.addf %logistic3A_44, %logistic3A_42 : vector<1024x128xf32>
    %logistic3A_46 = arith.divf %logistic3A_44, %logistic3A_45 : vector<1024x128xf32>
    %slice3A_47 = vector.extract_strided_slice %add3A_29 {offsets = [0, 128], sizes = [1024, 128], strides = [1, 1]} : vector<1024x384xf32> to vector<1024x128xf32>
    %slice3A_48 = vector.extract_strided_slice %add3A_39 {offsets = [0, 128], sizes = [1024, 128], strides = [1, 1]} : vector<1024x384xf32> to vector<1024x128xf32>
    %add3A_49 = arith.addf %slice3A_47, %slice3A_48 : vector<1024x128xf32>
    %logistic3A_50 = arith.negf %add3A_49 : vector<1024x128xf32>
    %logistic3A_51 = math.exp %logistic3A_50 : vector<1024x128xf32>
    %logistic3A_52 = arith.constant 1.000000e+00 : f32
    %logistic3A_53 = vector.broadcast %logistic3A_52 : f32 to vector<1024x128xf32>
    %logistic3A_54 = arith.addf %logistic3A_53, %logistic3A_51 : vector<1024x128xf32>
    %logistic3A_55 = arith.divf %logistic3A_53, %logistic3A_54 : vector<1024x128xf32>
    %slice3A_56 = vector.extract_strided_slice %add3A_29 {offsets = [0, 256], sizes = [1024, 128], strides = [1, 1]} : vector<1024x384xf32> to vector<1024x128xf32>
    %slice3A_57 = vector.extract_strided_slice %add3A_39 {offsets = [0, 256], sizes = [1024, 128], strides = [1, 1]} : vector<1024x384xf32> to vector<1024x128xf32>
    %mul3A_58 = arith.mulf %logistic3A_46, %slice3A_57 : vector<1024x128xf32>
    %add3A_59 = arith.addf %slice3A_56, %mul3A_58 : vector<1024x128xf32>
    %tanh3A = math.tanh %add3A_59 : vector<1024x128xf32>
    %sub3A_60 = arith.constant 1.000000e+00 : f32
    %sub3A_61 = vector.broadcast %sub3A_60 : f32 to vector<1024x128xf32>
    %sub3A_62 = arith.subf %sub3A_61, %logistic3A_55 : vector<1024x128xf32>
    %mul3A_63 = arith.mulf %sub3A_62, %tanh3A : vector<1024x128xf32>
    %mul3A_64 = arith.mulf %logistic3A_55, %get3A_1 : vector<1024x128xf32>
    %add3A_65 = arith.addf %mul3A_63, %mul3A_64 : vector<1024x128xf32>
    %max3A_66 = arith.constant 0.000000e+00 : f32
    %max3A_67 = vector.broadcast %max3A_66 : f32 to vector<1024x128xf32>
    %max3A_68 = arith.maximumf %add3A_65, %max3A_67 : vector<1024x128xf32>
    %swap3A = arith.constant 0 : index
    %swap3A_69 = arith.constant 0 : index
    %swap3A_70 = vector.load %arg9[%swap3A, %swap3A_69] : memref<1024x128xf32, #tpu.memory_space<vmem>>, vector<1024x128xf32>
    tpu.vector_store %arg9[%swap3A, %swap3A_69], %max3A_68 {strides = array<i32>} : memref<1024x128xf32, #tpu.memory_space<vmem>>, vector<1024x128xf32>,
    return
  }
  func.func @transform_0(%arg0: i32) -> (i32, i32) {
    %c0_i32 = arith.constant 0 : i32
    %c0_i32_0 = arith.constant 0 : i32
    return %arg0, %c0_i32 : i32, i32
  }
  func.func @transform_1(%arg0: i32) -> (i32, i32) {
    %c0_i32 = arith.constant 0 : i32
    %c0_i32_0 = arith.constant 0 : i32
    return %arg0, %c0_i32 : i32, i32
  }
  func.func @transform_2(%arg0: i32) -> (i32, i32) {
    %c0_i32 = arith.constant 0 : i32
    %c0_i32_0 = arith.constant 0 : i32
    return %arg0, %c0_i32 : i32, i32
  }
  func.func @transform_3(%arg0: i32) -> (i32, i32) {
    %c0_i32 = arith.constant 0 : i32
    %c0_i32_0 = arith.constant 0 : i32
    return %c0_i32, %arg0 : i32, i32
  }
  func.func @transform_4(%arg0: i32) -> (i32, i32) {
    %c0_i32 = arith.constant 0 : i32
    %c0_i32_0 = arith.constant 0 : i32
    %c0_i32_1 = arith.constant 0 : i32
    return %c0_i32, %c0_i32_0 : i32, i32
  }
  func.func @transform_5(%arg0: i32) -> (i32, i32) {
    %c0_i32 = arith.constant 0 : i32
    %c0_i32_0 = arith.constant 0 : i32
    %c0_i32_1 = arith.constant 0 : i32
    return %c0_i32, %c0_i32_0 : i32, i32
  }
  func.func @transform_6(%arg0: i32) -> (i32, i32) {
    %c0_i32 = arith.constant 0 : i32
    %c0_i32_0 = arith.constant 0 : i32
    %c0_i32_1 = arith.constant 0 : i32
    return %c0_i32, %c0_i32_0 : i32, i32
  }
  func.func @transform_7(%arg0: i32) -> (i32, i32) {
    %c0_i32 = arith.constant 0 : i32
    %c0_i32_0 = arith.constant 0 : i32
    %c0_i32_1 = arith.constant 0 : i32
    return %c0_i32, %c0_i32_0 : i32, i32
  }
  func.func @transform_8(%arg0: i32) -> (i32, i32) {
    %c0_i32 = arith.constant 0 : i32
    %c0_i32_0 = arith.constant 0 : i32
    return %arg0, %c0_i32 : i32, i32
  }
}

</mosaic_0001>

<sc_bundles>
// kernel: kernel.5.cloned.1.call-start
scs
__scs_entry_jumppad:
0x0: {  	(pc) =	sbr.rel $0x88, $3  }
0x1: {  	(tag) =	ssettag $0x0;
	lr =	simm.s32 $0x1  }
0x2: {  	[smem:$0x3F97] =	sst lr;
	_ =	strace $0xD0000000  }
0x3: {  	_ = 	snop  }
0x4: {  	_ = 	snop  }
0x5: {  	_ = 	snop  }
0x6: {  	_ = 	snop  }
0x7: {  	_ = 	snop  }
__scs_overlays_trampoline_lowered:
0x8: {  	[smem:$0x3FA6] =	sst s0  }
0x9: {  	[smem:$0x3FA7] =	sst s1  }
0xa: {  	[smem:$0x3FA8] =	sst s2  }
0xb: {  	[smem:$0x3FA9] =	sst s3  }
0xc: {  	[smem:$0x3FAA] =	sst s4  }
0xd: {  	[smem:$0x3FAB] =	sst s5  }
0xe: {  	[smem:$0x3FAC] =	sst s6  }
0xf: {  	[smem:$0x3FAD] =	sst s7  }
0x10: {  	[smem:$0x3FAE] =	sst s8  }
0x11: {  	[smem:$0x3FAF] =	sst s9;
	s0 =	simm.s32 @!p0 $0x0  }
0x12: {  	s1 =	sld [smem:$0x3F95];
	s0 =	simm.s32 @p0 $0x1  }
0x13: {  	[smem:$0x3FB0] =	sst s0;
	s0 =	simm.s32 @!p1 $0x0  }
0x14: {  	s2 =	sld [smem:$0x3F94];
	s0 =	simm.s32 @p1 $0x1  }
0x15: {  	[smem:$0x3FB1] =	sst s0;
	s0 =	simm.s32 @!p2 $0x0  }
0x16: {  	s3 =	sld [smem:$0x3FDB];
	s0 =	simm.s32 @p2 $0x1  }
0x17: {  	s4 =	simm.s32 $0x1BF5;
	[smem:$0x3FB3] =	sst s0  }
0x18: {  	s0 =	sld [smem:$0x3F96];
	_ =	swait.ge [sflag:s4], $0x0  }
0x19: {  	s7 =	sld [smem:$0x3F97]  }
0x1a: {  	s8 =	sadd.s32 $0xFFFFE003, lr  }
0x1b: {  	s9 =	sadd.s32 $0xFFFFFEF7, lr;
	s5 =	simm.s32 $0xFFFFFFFF;
	p2 =	slt.u32 s8, $0xFFFFF086  }
0x1c: {  	p1 =	slt.u32 s9, $0xF7A;
	s5 =	simm.s32 @!p2 $0x0  }
0x1d: {  	s5 =	simm.s32 @p1 $0x1;
	p0 =	seq.s32 s7, s2  }
0x1e: {  	s7 =	smul.u32 @!p0 $0xF7A, s2;
	p2 =	seq.s32 @!p0 s5, $0x0  }
0x1f: {  	s9 =	smul.u32 $0xF7A, s1;
	s8 =	simm.s32 @!p0 $0x1BF5;
	p2 =	por !p2, p0  }
0x20: {  	[sflag:s8] =	ssyncset.s32 @!p0 $0xFFFFF086;
	s6 =	sadd.s32 @!p0 s3, s7;
	s7 =	simm.s32 @!p0 $0x108  }
0x21: {  	s3 =	sadd.s32 s3, s9;
	s6 =	sadd.s32 @!p0 $0x88, s6;
	s7 =	simm.s32 @p2 $0x1082  }
0x22: {  	[simem:s7], [sflag:s8] =	dma.local @!p0 [hbm:s6], $0xF7A  }
0x23: {  	s9 =	sor.u32 $0xD0000000, s2;
	s6 =	simm.s32 $0x108;
	_ =	swait.ge @!p0 [sflag:s8], $0x0  }
0x24: {  	s3 =	sadd.s32 $0x88, s3;
	s6 =	simm.s32 @!p1 $0x1082;
	[sflag:s4] =	ssyncset.s32 $0xFFFFF086  }
0x25: {  	[simem:s6], [sflag:s4] =	dma.local [hbm:s3], $0xF7A  }
0x26: {  	[smem:$0x3F97] =	sst s1;
	(tag) =	ssettag s2;
	_ =	strace s9  }
0x27: {  	s1 =	sld [smem:$0x3FA7]  }
0x28: {  	s2 =	sld [smem:$0x3FA8]  }
0x29: {  	s4 =	sld [smem:$0x3FAA]  }
0x2a: {  	p0 =	seq.s32 s5, $0x0;
	s5 =	sld [smem:$0x3FAB]  }
0x2b: {  	s6 =	sld [smem:$0x3FAC]  }
0x2c: {  	s7 =	sld [smem:$0x3FAD]  }
0x2d: {  	s3 =	simm.s32 $0x108;
	s8 =	sld [smem:$0x3FAE]  }
0x2e: {  	s3 =	simm.s32 @!p0 $0x1082;
	s9 =	sld [smem:$0x3FAF]  }
0x2f: {  	lr =	sadd.s32 s0, s3;
	s0 =	sld [smem:$0x3FA6]  }
0x30: {  	s3 =	sld [smem:$0x3FA9]  }
0x31: {  	[smem:$0x3FB2] =	sst s10  }
0x32: {  	s10 =	sld [smem:$0x3FB0];
	_ =	sdelay $0x3  }
0x33: {  	p0 =	seq.s32 s10, $0x1;
	s10 =	sld [smem:$0x3FB2];
	_ =	sdelay $0x3  }
0x34: {  	[smem:$0x3FB2] =	sst s10  }
0x35: {  	s10 =	sld [smem:$0x3FB1];
	_ =	sdelay $0x3  }
0x36: {  	p1 =	seq.s32 s10, $0x1;
	s10 =	sld [smem:$0x3FB2];
	_ =	sdelay $0x3  }
0x37: {  	[smem:$0x3FB2] =	sst s10  }
0x38: {  	s10 =	sld [smem:$0x3FB3]  }
0x39: {  	_ = 	snop;
	(pc) =	sbr.ind lr, $3  }
0x3a: {  	_ = 	snop  }
0x3b: {  	_ = 	snop  }
0x3c: {  	p2 =	seq.s32 s10, $0x1;
	s10 =	sld [smem:$0x3FB2]  }
0x3d: {  	_ =	shalt  }
0x3e: {  	_ =	shalt  }
0x3f: {  	_ =	shalt  }
0x40: {  	_ =	shalt  }
0x41: {  	_ =	shalt  }
0x42: {  	_ =	shalt  }
0x43: {  	_ =	shalt  }
0x44: {  	_ =	shalt  }
0x45: {  	_ =	shalt  }
0x46: {  	_ =	shalt  }
0x47: {  	_ =	shalt  }
0x48: {  	_ =	shalt  }
0x49: {  	_ =	shalt  }
0x4a: {  	_ =	shalt  }
0x4b: {  	_ =	shalt  }
0x4c: {  	_ =	shalt  }
0x4d: {  	_ =	shalt  }
0x4e: {  	_ =	shalt  }
0x4f: {  	_ =	shalt  }
0x50: {  	_ =	shalt  }
0x51: {  	_ =	shalt  }
0x52: {  	_ =	shalt  }
0x53: {  	_ =	shalt  }
0x54: {  	_ =	shalt  }
0x55: {  	_ =	shalt  }
0x56: {  	_ =	shalt  }
0x57: {  	_ =	shalt  }
0x58: {  	_ =	shalt  }
0x59: {  	_ =	shalt  }
0x5a: {  	_ =	shalt  }
0x5b: {  	_ =	shalt  }
0x5c: {  	_ =	shalt  }
0x5d: {  	_ =	shalt  }
0x5e: {  	_ =	shalt  }
0x5f: {  	_ =	shalt  }
0x60: {  	_ =	shalt  }
0x61: {  	_ =	shalt  }
0x62: {  	_ =	shalt  }
0x63: {  	_ =	shalt  }
0x64: {  	_ =	shalt  }
0x65: {  	_ =	shalt  }
0x66: {  	_ =	shalt  }
0x67: {  	_ =	shalt  }
0x68: {  	_ =	shalt  }
0x69: {  	_ =	shalt  }
0x6a: {  	_ =	shalt  }
0x6b: {  	_ =	shalt  }
0x6c: {  	_ =	shalt  }
0x6d: {  	_ =	shalt  }
0x6e: {  	_ =	shalt  }
0x6f: {  	_ =	shalt  }
0x70: {  	_ =	shalt  }
0x71: {  	_ =	shalt  }
0x72: {  	_ =	shalt  }
0x73: {  	_ =	shalt  }
0x74: {  	_ =	shalt  }
0x75: {  	_ =	shalt  }
0x76: {  	_ =	shalt  }
0x77: {  	_ =	shalt  }
0x78: {  	_ =	shalt  }
0x79: {  	_ =	shalt  }
0x7a: {  	_ =	shalt  }
0x7b: {  	_ =	shalt  }
0x7c: {  	_ =	shalt  }
0x7d: {  	_ =	shalt  }
0x7e: {  	_ =	shalt  }
0x7f: {  	_ =	shalt  }
0x80: {  	_ =	shalt  }
0x81: {  	_ =	shalt  }
0x82: {  	_ =	shalt  }
0x83: {  	_ =	shalt  }
0x84: {  	_ =	shalt  }
0x85: {  	_ =	shalt  }
0x86: {  	_ =	shalt  }
0x87: {  	_ =	shalt  }
.Lfunc_end0:
.L_simem_size_0:
called_computation_lowered:
.L_overlay_start_0:
0x88: {  	s2 =	sld [smem:$0x3FD9]  }
0x89: {  	s3 =	sld [smem:$0x3FFE];
	_ =	sdelay $0x1  }
0x8a: {  	s1 =	srdreg.scid  }
0x8b: {  	s0 =	sand.u32 $0x1, s1  }
0x8c: {  	s17 =	sshll.u32 s0, $0xA;
	s2 =	sadd.s32 s3, s2  }
0x8d: {  	s2 =	sadd.s32 s2, s17  }
0x8e: {  	[smem:$0x3FBE] =	sst s2  }
0x8f: {  	_ = 	snop  }
0x90: {  	s2 =	sld [smem:$0x3FD0];
	(tm) =	ssettm $0x1  }
0x91: {  	s18 =	sld [smem:$0x3FFB];
	_ =	sdelay $0x3  }
0x92: {  	_ =	strace s18  }
0x93: {  	s3 =	sld [smem:$0x3FFC];
	_ =	sdelay $0x3  }
0x94: {  	_ =	strace s3  }
0x95: {  	s3 =	sld [smem:$0x3FFD];
	_ =	sdelay $0x3  }
0x96: {  	_ =	strace s3  }
0x97: {  	_ =	strace $0x8FFFFFFF  }
0x98: {  	s19 =	sld [smem:$0x3FDB];
	_ =	sdelay $0x1  }
0x99: {  	s4 =	simm.s32 $_scs_section_size  }
0x9a: {  	s5 =	simm.s32 $_size__tile_overlayer_lowered;
	s6 =	simm.s32 $_tile_overlayer_lowered  }
0x9b: {  	s22 =	simm.s32 $0x1BFF;
	s21 =	sshll.u32 s6, $0x1;
	s3 =	sadd.s32 s4, s19  }
0x9c: {  	s7 =	simm.s32 $0x0;
	s20 =	sshll.u32 s5, $0x1;
	s5 =	sadd.s32 s21, s3  }
0x9d: {  	[timem:s7], [sflag:s22] =	dma.local [hbm:s5], s20  }
0x9e: {  	_ =	swait.ge [sflag:s22], s20  }
0x9f: {  	s4 =	ssub.s32 $0x0, s20;
	[sflag:s22] =	ssyncset.done $0x0  }
0xa0: {  	[sflag:s22] =	ssyncadd.s32 s4;
	_ =	sdelay $0x1  }
0xa1: {  	s23 =	simm.s32 $0x1B8B  }
0xa2: {  	_ =	swait.ge [sflag:s23], $0x1  }
0xa3: {  	[sflag:s23] =	ssyncset.done $0x0  }
0xa4: {  	s25 =	simm.s32 $0x1B8E;
	s24 =	sld [smem:$0x3FFE];
	[sflag:s23] =	ssyncadd.s32 $0xFFFFFFFF  }
0xa5: {  	s26 =	simm.s32 $execute0_lowered;
	[smem:$0x3FD2] =	sst s25  }
0xa6: {  	s5 =	sshll.u32 s26, $0x1;
	_ =	strace $0x80000046;
	[dreg:$0x1] =	wrdreg $0xFFFFFFFF  }
0xa7: {  	s28 =	simm.s32 $_size_execute0_lowered;
	s3 =	sadd.s32 s3, s5;
	[dreg:$0x0] =	wrdreg $0x0  }
0xa8: {  	s5 =	sshll.u32 s28, $0x1;
	[dreg:$0x2] =	wrdreg s3  }
0xa9: {  	[dreg:$0x3] =	wrdreg s5  }
0xaa: {  	[dreg:$0x4] =	wrdreg $0xC0  }
0xab: {  	_ =	task [dreg:s7], $0x5FFFF  }
0xac: {  	[dreg:$0x1] =	wrdreg $0xFFFFFFFF  }
0xad: {  	[dreg:$0x0] =	wrdreg $0x60  }
0xae: {  	[dreg:$0x2] =	wrdreg s24  }
0xaf: {  	[dreg:$0x3] =	wrdreg s2  }
0xb0: {  	[dreg:$0x4] =	wrdreg $0xA1000  }
0xb1: {  	[dreg:$0x5] =	wrdreg $0x9  }
0xb2: {  	_ =	task.clear_ibuf [dreg:s7], $0x6FFFF;
	_ =	strace $0x90000046  }
0xb3: {  	s29 =	simm.s32 $0x9;
	_ =	strace $0x80000048  }
0xb4: {  	_ =	swait.ge [sflag:s29], $0x1  }
0xb5: {  	[sflag:s29] =	ssyncadd.s32 $0xFFFFFFFF  }
0xb6: {  	_ =	strace $0x90000048  }
0xb7: {  	_ =	sfence  }
0xb8: {  	s30 =	sld [smem:$0x0];
	_ =	sdelay $0x2  }
0xb9: {  	s31 =	sshll.u32 s1, $0xD;
	s1 =	sshrl.u32 s1, $0x2  }
0xba: {  	s3 =	sand.u32 $0x4000, s31;
	s1 =	sadd.s32 s1, s30  }
0xbb: {  	s0 =	sor.u32 s3, s0;
	s1 =	sshll.u32 s1, $0x11  }
0xbc: {  	s0 =	sor.u32 s1, s0  }
0xbd: {  	s0 =	sadd.s32 $0x8F2B, s0  }
0xbe: {  	[sflag:s0] =	ssyncadd.remote.s32 $0x1  }
0xbf: {  	_ =	sfence.sel $0xFFFF  }
0xc0: {  	[dreg:$0x0] =	wrdreg $0xFFFFFFFF;
	(pc) =	sbr.abs _section_cstart, $3  }
0xc1: {  	[dreg:$0x1] =	wrdreg $0xFFFFFFFF  }
0xc2: {  	_ =	task.clear_ibuf [dreg:s7], $0x2FFFF;
	_ =	strace $0x9FFFFFFF  }
0xc3: {  	(tm) =	ssettm $0x7FFFFFFF  }
tec
execute0_lowered:
.L_overlay_start_1:
0x0: {  	(tag) =	ssettag $0x1  }
0x1: {  	s0 =	rddreg [dreg:$0x0]  }
0x2: {  	s2 =	rddreg [dreg:$0x1]  }
0x3: {  	s1 =	rddreg [dreg:$0x2]  }
0x4: {  	s3 =	simm.s32 $0x0;
	s4 =	srdreg.scid;
	s15 =	stileid.u32  }
0x5: {  	s21 =	simm.s32 $0x2;
	s22 =	simm.s32 $0x2800;
	s23 =	simm.s32 $0x7900  }
0x6: {  	s28 =	simm.s32 $0x1;
	s29 =	simm.s32 $0x5100;
	s30 =	simm.s32 $0x0  }
0x7: {  	[smem:$0x7FF] =	sst s3;
	s6 =	sand.u32 $0x1, s4;
	s4 =	sadd.s32 $0xAC00, s0  }
0x8: {  	s10 =	smul.u32 $0x14000, s15;
	s5 =	sadd.s32 $0xE00, s0;
	s7 =	sadd.s32 $0x3D000, s0  }
0x9: {  	s8 =	sadd.s32 $0x14A00, s0;
	s12 =	smul.u32 $0x50000, s15;
	s25 =	sshll.u32 s15, $0x1  }
0xa: {  	s31 =	sshrl.u32 s15, $0x3;
	s15 =	sshll.u32 s15, $0x7;
	s9 =	smul.u32 $0x140000, s6  }
0xb: {  	_ =	strace $0x80000047;
	[dreg:$0x4] =	wrdreg s7;
	s7 =	sadd.s32 $0x3CA00, s0  }
0xc: {  	s24 =	ssub.s32 $0x2, s6;
	s13 =	smul.u32 $0x28000, s6;
	s6 =	sor.u32 s6, s25  }
0xd: {  	s14 =	smul.u32 $0x14000, s31;
	s15 =	sand.u32 $0x380, s15;
	s25 =	simm.s32 $0x5080  }
0xe: {  	s11 =	sshrl.u32 s24, $0x1;
	s26 =	sshrl.u32 s12, $0x2;
	s9 =	sadd.s32 s10, s9  }
0xf: {  	s20 =	ssub.s32 s24, s11;
	s16 =	sadd.s32 s13, s14;
	s24 =	simm.s32 $0x5000  }
0x10: {  	s9 =	sshrl.u32 s9, $0x3;
	s17 =	sor.u32 s15, s16;
	s20 =	smax.u32 s20, $0x1  }
0x11: {  	s0 =	sadd.s32 s9, s0;
	s9 =	sadd.s32 s26, s1;
	s19 =	sshrl.u32 s17, $0x3  }
0x12: {  	s17 =	smul.u32 $0x2710, s6;
	s26 =	simm.s32 $0x50;
	s10 =	sadd.s32 $0x2800, s9  }
0x13: {  	s11 =	sadd.s32 $0x5000, s9;
	s12 =	sadd.s32 $0x7800, s9;
	s13 =	sadd.s32 $0xA000, s9  }
0x14: {  	s14 =	sadd.s32 $0xC800, s9;
	s15 =	sadd.s32 $0xF000, s9;
	s16 =	sadd.s32 $0x11800, s9  }
0x15: {  	v0 =	vimm.f32 $0.0e+00;
	s18 =	sadd.s32 $0x3D600, s0;
	s19 =	sadd.s32 s2, s19;
	s0 =	simm.s32 $0x0  }
.LBB2_1:
0x16: {  	s2 =	rddreg [dreg:$0x4]  }
0x17: {  	[tilespmem:s3], [sflag:$0x2] =	stream.linear.gather [hbm4b:s2+s3], $0x2800, $0x38;
	[tilespmem:$0x1E100] =	vst v63  }
0x18: {  	_ =	swait.ge [sflag:s21], $0x2800  }
0x19: {  	[sflag:s21] =	ssyncset.done $0x0  }
0x1a: {  	[sflag:s21] =	ssyncadd.s32 $0xFFFFD800  }
0x1b: {  	[tilespmem:s22], [sflag:$0x2] =	stream.linear.gather [hbm4b:s7+s3], $0x2800, $0x38;
	[tilespmem:$0x1E100] =	vst v63  }
0x1c: {  	_ =	swait.ge [sflag:s21], $0x2800  }
0x1d: {  	[sflag:s21] =	ssyncset.done $0x0  }
0x1e: {  	s6 =	simm.s32 $0x200;
	s2 =	simm.s32 $0x0;
	[sflag:s21] =	ssyncadd.s32 $0xFFFFD800  }
.LBB2_2:
0x1f: {  	p0 =	sne.s32 s6, $0x9E00;
	[tilespmem:s2+$0x7970] =	vst v0  }
0x20: {  	[tilespmem:s2+$0x7900] =	vst v0  }
0x21: {  	[tilespmem:s2+$0x7910] =	vst v0  }
.Ltmp0:
0x22: {  	[tilespmem:s2+$0x7920] =	vst v0;
	(pc) =	sbr.rel @p0 .LBB2_2-.Ltmp0, $4  }
0x23: {  	[tilespmem:s2+$0x7930] =	vst v0  }
0x24: {  	[tilespmem:s2+$0x7940] =	vst v0  }
0x25: {  	[tilespmem:s2+$0x7950] =	vst v0  }
0x26: {  	[tilespmem:s2+$0x7960] =	vst v0;
	s2 =	sshra.s32 s6, $0x2;
	s6 =	sadd.s32 $0x200, s6  }
0x27: {  	[tilespmem:s2+$0x7970] =	vst v0  }
0x28: {  	[tilespmem:s2+$0x7900] =	vst v0  }
0x29: {  	[tilespmem:s2+$0x7910] =	vst v0  }
0x2a: {  	[tilespmem:s2+$0x7920] =	vst v0  }
0x2b: {  	[tilespmem:s2+$0x7930] =	vst v0  }
0x2c: {  	[tilespmem:s2+$0x7940] =	vst v0  }
0x2d: {  	[tilespmem:s2+$0x7950] =	vst v0  }
0x2e: {  	[tilespmem:s2+$0x7960] =	vst v0;
	s2 =	simm.s32 $0x40;
	s6 =	simm.s32 $0x0  }
.LBB2_4:
0x2f: {  	p0 =	sne.s32 s2, $0x9FC0;
	[tilespmem:s6+$0x5100] =	vst v0;
	s6 =	smov.u32 s2;
	s2 =	sadd.s32 $0x40, s2  }
.Ltmp1:
0x30: {  	(pc) =	sbr.rel @p0 .LBB2_4-.Ltmp1, $2  }
0x31: {  	_ =	sdelay $0x2  }
0x32: {  	s6 =	sshra.s32 s6, $0x2  }
0x33: {  	[tilespmem:s6+$0x5100] =	vst v0  }
0x34: {  	[spmem:s9] =	stream.linear.scatter [tilespmem:s23], [sflag:$0x2], $0x2800, $0x38;
	[tilespmem:$0x1E100] =	vst v63  }
0x35: {  	_ =	swait.ge [sflag:s21], $0x2800  }
0x36: {  	[sflag:s21] =	ssyncset.done $0x0  }
0x37: {  	[sflag:s21] =	ssyncadd.s32 $0xFFFFD800  }
0x38: {  	[spmem:s10] =	stream.linear.scatter [tilespmem:s23], [sflag:$0x2], $0x2800, $0x38;
	[tilespmem:$0x1E100] =	vst v63  }
0x39: {  	_ =	swait.ge [sflag:s21], $0x2800  }
0x3a: {  	[sflag:s21] =	ssyncset.done $0x0  }
0x3b: {  	[sflag:s21] =	ssyncadd.s32 $0xFFFFD800  }
0x3c: {  	[spmem:s11] =	stream.linear.scatter [tilespmem:s23], [sflag:$0x2], $0x2800, $0x38;
	[tilespmem:$0x1E100] =	vst v63  }
0x3d: {  	_ =	swait.ge [sflag:s21], $0x2800  }
0x3e: {  	[sflag:s21] =	ssyncset.done $0x0  }
0x3f: {  	[sflag:s21] =	ssyncadd.s32 $0xFFFFD800  }
0x40: {  	[spmem:s12] =	stream.linear.scatter [tilespmem:s23], [sflag:$0x2], $0x2800, $0x38;
	[tilespmem:$0x1E100] =	vst v63  }
0x41: {  	_ =	swait.ge [sflag:s21], $0x2800  }
0x42: {  	[sflag:s21] =	ssyncset.done $0x0  }
0x43: {  	[sflag:s21] =	ssyncadd.s32 $0xFFFFD800  }
0x44: {  	[spmem:s13] =	stream.linear.scatter [tilespmem:s23], [sflag:$0x2], $0x2800, $0x38;
	[tilespmem:$0x1E100] =	vst v63  }
0x45: {  	_ =	swait.ge [sflag:s21], $0x2800  }
0x46: {  	[sflag:s21] =	ssyncset.done $0x0  }
0x47: {  	[sflag:s21] =	ssyncadd.s32 $0xFFFFD800  }
0x48: {  	[spmem:s14] =	stream.linear.scatter [tilespmem:s23], [sflag:$0x2], $0x2800, $0x38;
	[tilespmem:$0x1E100] =	vst v63  }
0x49: {  	_ =	swait.ge [sflag:s21], $0x2800  }
0x4a: {  	[sflag:s21] =	ssyncset.done $0x0  }
0x4b: {  	[sflag:s21] =	ssyncadd.s32 $0xFFFFD800  }
0x4c: {  	[spmem:s15] =	stream.linear.scatter [tilespmem:s23], [sflag:$0x2], $0x2800, $0x38;
	[tilespmem:$0x1E100] =	vst v63  }
0x4d: {  	_ =	swait.ge [sflag:s21], $0x2800  }
0x4e: {  	[sflag:s21] =	ssyncset.done $0x0  }
0x4f: {  	[sflag:s21] =	ssyncadd.s32 $0xFFFFD800  }
0x50: {  	[spmem:s16] =	stream.linear.scatter [tilespmem:s23], [sflag:$0x2], $0x2800, $0x38;
	[tilespmem:$0x1E100] =	vst v63  }
0x51: {  	_ =	swait.ge [sflag:s21], $0x2800  }
0x52: {  	[sflag:s21] =	ssyncset.done $0x0  }
0x53: {  	[sflag:s21] =	ssyncadd.s32 $0xFFFFD800  }
0x54: {  	s31 =	simm.s32 $0x0;
	[bflag:$0x0] =	sbarrier.arrive $0xFFFF  }
.LBB2_6:
0x55: {  	s2 =	smul.u32 $0x50, s31;
	_ =	sdelay $0x1  }
0x56: {  	s2 =	sadd.s32 s17, s2  }
0x57: {  	s2 =	sshrl.u32 s2, $0x3  }
0x58: {  	s6 =	sadd.s32 s4, s2  }
0x59: {  	[tilespmem:s24], [sflag:$0x2] =	stream.linear.gather [hbm4b:s6+s30], $0x50, $0x38;
	[tilespmem:$0x1E100] =	vst v63  }
0x5a: {  	_ =	swait.ge [sflag:s21], $0x50  }
0x5b: {  	[sflag:s21] =	ssyncset.done $0x0  }
0x5c: {  	s2 =	sadd.s32 s5, s2;
	[sflag:s21] =	ssyncadd.s32 $0xFFFFFFB0  }
0x5d: {  	[tilespmem:s25], [sflag:$0x2] =	stream.linear.gather [hbm4b:s2+s30], $0x50, $0x38;
	[tilespmem:$0x1E100] =	vst v63  }
0x5e: {  	_ =	swait.ge [sflag:s21], $0x50  }
0x5f: {  	[sflag:s21] =	ssyncset.done $0x0  }
0x60: {  	[sflag:s21] =	ssyncadd.s32 $0xFFFFFFB0  }
0x61: {  	[tilespmem:s23], [sflag:$0x1] =	stream.indirect.gather [hbm4b:s8+s26], $0x80, s24, s26, $0xb8;
	[tilespmem:$0x1E100] =	vst v63  }
0x62: {  	_ =	swait.ge [sflag:s28], $0x2800  }
0x63: {  	[sflag:s28] =	ssyncset.done $0x0  }
0x64: {  	s2 =	simm.s32 $0x0;
	[sflag:s28] =	ssyncadd.s32 $0xFFFFD800  }
.LBB2_7:
0x65: {  	s6 =	sshll.u32 s2, $0x4  }
0x66: {  	v2 =	vld [tilespmem:s6+$0x5080]  }
0x67: {  	v1 =	vld [tilespmem:s6+$0x5000];
	_ =	sdelay $0x6  }
0x68: {  	v3 =	vld.idx.msk [tilespmem:v2+s3+$0x0], $0xffff  }
0x69: {  	v1 =	vld.idx.msk [tilespmem:v1+s22+$0x0], $0xffff;
	_ =	sdelay $0x4  }
0x6a: {  	v1 =	vadd.f32 v1, v3;
	_ =	sdelay $0x1  }
0x6b: {  	v3 =	vmul.f32 $9.999999770e-03, v1;
	_ =	sdelay $0x1  }
0x6c: {  	v1 =	vmax.f32 v1, v3  }
0x6d: {  	v1 =	vmul.f32 $1.442695020e+00, v1;
	_ =	sdelay $0x1  }
0x6e: {  	(erf) = vpow2.f32 v1;
	_ =	sdelay $0x8  }
0x6f: {  	s6 =	sshll.u32 s2, $0xB;
	v1 =	vpop (erf)  }
0x70: {  	s6 =	sand.u32 $0x3FFFF800, s6;
	[tilespmem:v2+s29+$0x0] =	vst.idx.add.f32.msk $0xffff, v1  }
0x71: {  	v2 =	vld [tilespmem:s6+$0x7900]  }
0x72: {  	v3 =	vld [tilespmem:s6+$0x7910]  }
0x73: {  	v4 =	vld [tilespmem:s6+$0x7920]  }
0x74: {  	v5 =	vbroadcast v1, $0x0;
	v6 =	vld [tilespmem:s6+$0x7930]  }
0x75: {  	v7 =	vld [tilespmem:s6+$0x7940]  }
0x76: {  	v8 =	vld [tilespmem:s6+$0x7950];
	v2 =	vmul.f32 v5, v2  }
0x77: {  	v9 =	vld [tilespmem:s6+$0x7960];
	v3 =	vmul.f32 v5, v3  }
0x78: {  	v34 =	vld [tilespmem:s6+$0x7970];
	[tilespmem:s6+$0x7900] =	vst v2;
	v2 =	vmul.f32 v5, v4  }
0x79: {  	v35 =	vld [tilespmem:s6+$0x7980];
	[tilespmem:s6+$0x7910] =	vst v3;
	v3 =	vmul.f32 v6, v5  }
0x7a: {  	v36 =	vld [tilespmem:s6+$0x7990];
	[tilespmem:s6+$0x7920] =	vst v2;
	v2 =	vmul.f32 v7, v5  }
0x7b: {  	v37 =	vld [tilespmem:s6+$0x79A0];
	[tilespmem:s6+$0x7930] =	vst v3;
	v3 =	vmul.f32 v8, v5  }
0x7c: {  	v38 =	vbroadcast v1, $0x1;
	v10 =	vld [tilespmem:s6+$0x79B0];
	[tilespmem:s6+$0x7940] =	vst v2;
	v2 =	vmul.f32 v9, v5  }
0x7d: {  	v39 =	vld [tilespmem:s6+$0x79C0];
	[tilespmem:s6+$0x7950] =	vst v3;
	v3 =	vmul.f32 v34, v5  }
0x7e: {  	v40 =	vld [tilespmem:s6+$0x79D0];
	[tilespmem:s6+$0x7960] =	vst v2;
	v2 =	vmul.f32 v35, v38  }
0x7f: {  	v41 =	vld [tilespmem:s6+$0x79E0];
	[tilespmem:s6+$0x7970] =	vst v3;
	v3 =	vmul.f32 v36, v38  }
0x80: {  	v42 =	vld [tilespmem:s6+$0x79F0];
	[tilespmem:s6+$0x7980] =	vst v2;
	v2 =	vmul.f32 v37, v38  }
0x81: {  	v43 =	vld [tilespmem:s6+$0x7A00];
	[tilespmem:s6+$0x7990] =	vst v3;
	v3 =	vmul.f32 v10, v38  }
0x82: {  	v44 =	vld [tilespmem:s6+$0x7A10];
	[tilespmem:s6+$0x79A0] =	vst v2;
	v2 =	vmul.f32 v39, v38  }
0x83: {  	v45 =	vld [tilespmem:s6+$0x7A20];
	[tilespmem:s6+$0x79B0] =	vst v3;
	v3 =	vmul.f32 v40, v38  }
0x84: {  	v46 =	vbroadcast v1, $0x2;
	v47 =	vld [tilespmem:s6+$0x7A30];
	[tilespmem:s6+$0x79C0] =	vst v2;
	v2 =	vmul.f32 v41, v38  }
0x85: {  	v48 =	vld [tilespmem:s6+$0x7A40];
	[tilespmem:s6+$0x79D0] =	vst v3;
	v3 =	vmul.f32 v42, v38  }
0x86: {  	v49 =	vld [tilespmem:s6+$0x7A50];
	[tilespmem:s6+$0x79E0] =	vst v2;
	v2 =	vmul.f32 v43, v46  }
0x87: {  	v50 =	vld [tilespmem:s6+$0x7A60];
	[tilespmem:s6+$0x79F0] =	vst v3;
	v3 =	vmul.f32 v44, v46  }
0x88: {  	v51 =	vld [tilespmem:s6+$0x7A70];
	[tilespmem:s6+$0x7A00] =	vst v2;
	v2 =	vmul.f32 v45, v46  }
0x89: {  	v52 =	vld [tilespmem:s6+$0x7A80];
	[tilespmem:s6+$0x7A10] =	vst v3;
	v3 =	vmul.f32 v47, v46  }
0x8a: {  	v53 =	vld [tilespmem:s6+$0x7A90];
	[tilespmem:s6+$0x7A20] =	vst v2;
	v2 =	vmul.f32 v48, v46  }
0x8b: {  	v54 =	vld [tilespmem:s6+$0x7AA0];
	[tilespmem:s6+$0x7A30] =	vst v3;
	v3 =	vmul.f32 v49, v46  }
0x8c: {  	v55 =	vbroadcast v1, $0x3;
	v56 =	vld [tilespmem:s6+$0x7AB0];
	[tilespmem:s6+$0x7A40] =	vst v2;
	v2 =	vmul.f32 v50, v46  }
0x8d: {  	v57 =	vld [tilespmem:s6+$0x7AC0];
	[tilespmem:s6+$0x7A50] =	vst v3;
	v3 =	vmul.f32 v51, v46  }
0x8e: {  	v58 =	vld [tilespmem:s6+$0x7AD0];
	[tilespmem:s6+$0x7A60] =	vst v2;
	v2 =	vmul.f32 v52, v55  }
0x8f: {  	v59 =	vld [tilespmem:s6+$0x7AE0];
	[tilespmem:s6+$0x7A70] =	vst v3;
	v3 =	vmul.f32 v53, v55  }
0x90: {  	v60 =	vld [tilespmem:s6+$0x7AF0];
	[tilespmem:s6+$0x7A80] =	vst v2;
	v2 =	vmul.f32 v54, v55  }
0x91: {  	v61 =	vld [tilespmem:s6+$0x7B00];
	[tilespmem:s6+$0x7A90] =	vst v3;
	v3 =	vmul.f32 v56, v55  }
0x92: {  	v62 =	vld [tilespmem:s6+$0x7B10];
	[tilespmem:s6+$0x7AA0] =	vst v2;
	v2 =	vmul.f32 v57, v55  }
0x93: {  	v63 =	vld [tilespmem:s6+$0x7B20];
	[tilespmem:s6+$0x7AB0] =	vst v3;
	v3 =	vmul.f32 v58, v55  }
0x94: {  	v12 =	vbroadcast v1, $0x4;
	v13 =	vld [tilespmem:s6+$0x7B30];
	[tilespmem:s6+$0x7AC0] =	vst v2;
	v2 =	vmul.f32 v59, v55  }
0x95: {  	v14 =	vld [tilespmem:s6+$0x7B40];
	[tilespmem:s6+$0x7AD0] =	vst v3;
	v3 =	vmul.f32 v60, v55  }
0x96: {  	v15 =	vld [tilespmem:s6+$0x7B50];
	[tilespmem:s6+$0x7AE0] =	vst v2;
	v2 =	vmul.f32 v61, v12  }
0x97: {  	v16 =	vld [tilespmem:s6+$0x7B60];
	[tilespmem:s6+$0x7AF0] =	vst v3;
	v3 =	vmul.f32 v62, v12  }
0x98: {  	v17 =	vld [tilespmem:s6+$0x7B70];
	[tilespmem:s6+$0x7B00] =	vst v2;
	v2 =	vmul.f32 v63, v12  }
0x99: {  	v18 =	vld [tilespmem:s6+$0x7B80];
	[tilespmem:s6+$0x7B10] =	vst v3;
	v3 =	vmul.f32 v13, v12  }
0x9a: {  	v19 =	vld [tilespmem:s6+$0x7B90];
	[tilespmem:s6+$0x7B20] =	vst v2;
	v2 =	vmul.f32 v14, v12  }
0x9b: {  	v20 =	vld [tilespmem:s6+$0x7BA0];
	[tilespmem:s6+$0x7B30] =	vst v3;
	v3 =	vmul.f32 v15, v12  }
0x9c: {  	v21 =	vbroadcast v1, $0x5;
	v22 =	vld [tilespmem:s6+$0x7BB0];
	[tilespmem:s6+$0x7B40] =	vst v2;
	v2 =	vmul.f32 v16, v12  }
0x9d: {  	v23 =	vld [tilespmem:s6+$0x7BC0];
	[tilespmem:s6+$0x7B50] =	vst v3;
	v3 =	vmul.f32 v17, v12  }
0x9e: {  	v24 =	vld [tilespmem:s6+$0x7BD0];
	[tilespmem:s6+$0x7B60] =	vst v2;
	v2 =	vmul.f32 v18, v21  }
0x9f: {  	v25 =	vld [tilespmem:s6+$0x7BE0];
	[tilespmem:s6+$0x7B70] =	vst v3;
	v3 =	vmul.f32 v19, v21  }
0xa0: {  	v26 =	vld [tilespmem:s6+$0x7BF0];
	[tilespmem:s6+$0x7B80] =	vst v2;
	v2 =	vmul.f32 v20, v21  }
0xa1: {  	v27 =	vld [tilespmem:s6+$0x7C00];
	[tilespmem:s6+$0x7B90] =	vst v3;
	v3 =	vmul.f32 v22, v21  }
0xa2: {  	v28 =	vld [tilespmem:s6+$0x7C10];
	[tilespmem:s6+$0x7BA0] =	vst v2;
	v2 =	vmul.f32 v23, v21  }
0xa3: {  	v29 =	vld [tilespmem:s6+$0x7C20];
	[tilespmem:s6+$0x7BB0] =	vst v3;
	v3 =	vmul.f32 v24, v21  }
0xa4: {  	v30 =	vbroadcast v1, $0x6;
	v31 =	vld [tilespmem:s6+$0x7C30];
	[tilespmem:s6+$0x7BC0] =	vst v2;
	v2 =	vmul.f32 v25, v21  }
0xa5: {  	v32 =	vld [tilespmem:s6+$0x7C40];
	[tilespmem:s6+$0x7BD0] =	vst v3;
	v3 =	vmul.f32 v26, v21  }
0xa6: {  	v33 =	vld [tilespmem:s6+$0x7C50];
	[tilespmem:s6+$0x7BE0] =	vst v2;
	v2 =	vmul.f32 v27, v30  }
0xa7: {  	v34 =	vld [tilespmem:s6+$0x7C60];
	[tilespmem:s6+$0x7BF0] =	vst v3;
	v3 =	vmul.f32 v28, v30  }
0xa8: {  	v35 =	vld [tilespmem:s6+$0x7C70];
	[tilespmem:s6+$0x7C00] =	vst v2;
	v2 =	vmul.f32 v29, v30  }
0xa9: {  	v36 =	vld [tilespmem:s6+$0x7C80];
	[tilespmem:s6+$0x7C10] =	vst v3;
	v3 =	vmul.f32 v31, v30  }
0xaa: {  	v37 =	vld [tilespmem:s6+$0x7C90];
	[tilespmem:s6+$0x7C20] =	vst v2;
	v2 =	vmul.f32 v32, v30  }
0xab: {  	v38 =	vld [tilespmem:s6+$0x7CA0];
	[tilespmem:s6+$0x7C30] =	vst v3;
	v3 =	vmul.f32 v33, v30  }
0xac: {  	v39 =	vbroadcast v1, $0x7;
	v40 =	vld [tilespmem:s6+$0x7CB0];
	[tilespmem:s6+$0x7C40] =	vst v2;
	v2 =	vmul.f32 v34, v30  }
0xad: {  	v41 =	vld [tilespmem:s6+$0x7CC0];
	[tilespmem:s6+$0x7C50] =	vst v3;
	v3 =	vmul.f32 v35, v30  }
0xae: {  	v42 =	vld [tilespmem:s6+$0x7CD0];
	[tilespmem:s6+$0x7C60] =	vst v2;
	v2 =	vmul.f32 v36, v39  }
0xaf: {  	v43 =	vld [tilespmem:s6+$0x7CE0];
	[tilespmem:s6+$0x7C70] =	vst v3;
	v3 =	vmul.f32 v37, v39  }
0xb0: {  	v44 =	vld [tilespmem:s6+$0x7CF0];
	[tilespmem:s6+$0x7C80] =	vst v2;
	v2 =	vmul.f32 v38, v39  }
0xb1: {  	v45 =	vld [tilespmem:s6+$0x7D00];
	[tilespmem:s6+$0x7C90] =	vst v3;
	v3 =	vmul.f32 v40, v39  }
0xb2: {  	v46 =	vld [tilespmem:s6+$0x7D10];
	[tilespmem:s6+$0x7CA0] =	vst v2;
	v2 =	vmul.f32 v41, v39  }
0xb3: {  	v47 =	vld [tilespmem:s6+$0x7D20];
	[tilespmem:s6+$0x7CB0] =	vst v3;
	v3 =	vmul.f32 v42, v39  }
0xb4: {  	v48 =	vbroadcast v1, $0x8;
	v49 =	vld [tilespmem:s6+$0x7D30];
	[tilespmem:s6+$0x7CC0] =	vst v2;
	v2 =	vmul.f32 v43, v39  }
0xb5: {  	v50 =	vld [tilespmem:s6+$0x7D40];
	[tilespmem:s6+$0x7CD0] =	vst v3;
	v3 =	vmul.f32 v44, v39  }
0xb6: {  	v51 =	vld [tilespmem:s6+$0x7D50];
	[tilespmem:s6+$0x7CE0] =	vst v2;
	v2 =	vmul.f32 v45, v48  }
0xb7: {  	v52 =	vld [tilespmem:s6+$0x7D60];
	[tilespmem:s6+$0x7CF0] =	vst v3;
	v3 =	vmul.f32 v46, v48  }
0xb8: {  	v53 =	vld [tilespmem:s6+$0x7D70];
	[tilespmem:s6+$0x7D00] =	vst v2;
	v2 =	vmul.f32 v47, v48  }
0xb9: {  	v54 =	vld [tilespmem:s6+$0x7D80];
	[tilespmem:s6+$0x7D10] =	vst v3;
	v3 =	vmul.f32 v49, v48  }
0xba: {  	v55 =	vld [tilespmem:s6+$0x7D90];
	[tilespmem:s6+$0x7D20] =	vst v2;
	v2 =	vmul.f32 v50, v48  }
0xbb: {  	v56 =	vld [tilespmem:s6+$0x7DA0];
	[tilespmem:s6+$0x7D30] =	vst v3;
	v3 =	vmul.f32 v51, v48  }
0xbc: {  	v57 =	vbroadcast v1, $0x9;
	v58 =	vld [tilespmem:s6+$0x7DB0];
	[tilespmem:s6+$0x7D40] =	vst v2;
	v2 =	vmul.f32 v52, v48  }
0xbd: {  	v59 =	vld [tilespmem:s6+$0x7DC0];
	[tilespmem:s6+$0x7D50] =	vst v3;
	v3 =	vmul.f32 v53, v48  }
0xbe: {  	v60 =	vld [tilespmem:s6+$0x7DD0];
	[tilespmem:s6+$0x7D60] =	vst v2;
	v2 =	vmul.f32 v54, v57  }
0xbf: {  	v61 =	vld [tilespmem:s6+$0x7DE0];
	[tilespmem:s6+$0x7D70] =	vst v3;
	v3 =	vmul.f32 v55, v57  }
0xc0: {  	v62 =	vld [tilespmem:s6+$0x7DF0];
	[tilespmem:s6+$0x7D80] =	vst v2;
	v2 =	vmul.f32 v56, v57  }
0xc1: {  	v63 =	vld [tilespmem:s6+$0x7E00];
	[tilespmem:s6+$0x7D90] =	vst v3;
	v3 =	vmul.f32 v58, v57  }
0xc2: {  	v12 =	vld [tilespmem:s6+$0x7E10];
	[tilespmem:s6+$0x7DA0] =	vst v2;
	v2 =	vmul.f32 v59, v57  }
0xc3: {  	v13 =	vld [tilespmem:s6+$0x7E20];
	[tilespmem:s6+$0x7DB0] =	vst v3;
	v3 =	vmul.f32 v60, v57  }
0xc4: {  	v14 =	vbroadcast v1, $0xA;
	v15 =	vld [tilespmem:s6+$0x7E30];
	[tilespmem:s6+$0x7DC0] =	vst v2;
	v2 =	vmul.f32 v61, v57  }
0xc5: {  	v16 =	vld [tilespmem:s6+$0x7E40];
	[tilespmem:s6+$0x7DD0] =	vst v3;
	v3 =	vmul.f32 v62, v57  }
0xc6: {  	v17 =	vld [tilespmem:s6+$0x7E50];
	[tilespmem:s6+$0x7DE0] =	vst v2;
	v2 =	vmul.f32 v63, v14  }
0xc7: {  	v18 =	vld [tilespmem:s6+$0x7E60];
	[tilespmem:s6+$0x7DF0] =	vst v3;
	v3 =	vmul.f32 v12, v14  }
0xc8: {  	v19 =	vld [tilespmem:s6+$0x7E70];
	[tilespmem:s6+$0x7E00] =	vst v2;
	v2 =	vmul.f32 v13, v14  }
0xc9: {  	v20 =	vld [tilespmem:s6+$0x7E80];
	[tilespmem:s6+$0x7E10] =	vst v3;
	v3 =	vmul.f32 v15, v14  }
0xca: {  	v21 =	vld [tilespmem:s6+$0x7E90];
	[tilespmem:s6+$0x7E20] =	vst v2;
	v2 =	vmul.f32 v16, v14  }
0xcb: {  	v22 =	vld [tilespmem:s6+$0x7EA0];
	[tilespmem:s6+$0x7E30] =	vst v3;
	v3 =	vmul.f32 v17, v14  }
0xcc: {  	v23 =	vbroadcast v1, $0xB;
	v24 =	vld [tilespmem:s6+$0x7EB0];
	[tilespmem:s6+$0x7E40] =	vst v2;
	v2 =	vmul.f32 v18, v14  }
0xcd: {  	v25 =	vld [tilespmem:s6+$0x7EC0];
	[tilespmem:s6+$0x7E50] =	vst v3;
	v3 =	vmul.f32 v19, v14  }
0xce: {  	v26 =	vld [tilespmem:s6+$0x7ED0];
	[tilespmem:s6+$0x7E60] =	vst v2;
	v2 =	vmul.f32 v20, v23  }
0xcf: {  	v27 =	vld [tilespmem:s6+$0x7EE0];
	[tilespmem:s6+$0x7E70] =	vst v3;
	v3 =	vmul.f32 v21, v23  }
0xd0: {  	v28 =	vld [tilespmem:s6+$0x7EF0];
	[tilespmem:s6+$0x7E80] =	vst v2;
	v2 =	vmul.f32 v22, v23  }
0xd1: {  	v29 =	vld [tilespmem:s6+$0x7F00];
	[tilespmem:s6+$0x7E90] =	vst v3;
	v3 =	vmul.f32 v24, v23  }
0xd2: {  	v30 =	vld [tilespmem:s6+$0x7F10];
	[tilespmem:s6+$0x7EA0] =	vst v2;
	v2 =	vmul.f32 v25, v23  }
0xd3: {  	v31 =	vld [tilespmem:s6+$0x7F20];
	[tilespmem:s6+$0x7EB0] =	vst v3;
	v3 =	vmul.f32 v26, v23  }
0xd4: {  	v32 =	vbroadcast v1, $0xC;
	v33 =	vld [tilespmem:s6+$0x7F30];
	[tilespmem:s6+$0x7EC0] =	vst v2;
	v2 =	vmul.f32 v27, v23  }
0xd5: {  	v34 =	vld [tilespmem:s6+$0x7F40];
	[tilespmem:s6+$0x7ED0] =	vst v3;
	v3 =	vmul.f32 v28, v23  }
0xd6: {  	v35 =	vld [tilespmem:s6+$0x7F50];
	[tilespmem:s6+$0x7EE0] =	vst v2;
	v2 =	vmul.f32 v29, v32  }
0xd7: {  	v36 =	vld [tilespmem:s6+$0x7F60];
	[tilespmem:s6+$0x7EF0] =	vst v3;
	v3 =	vmul.f32 v30, v32  }
0xd8: {  	v37 =	vld [tilespmem:s6+$0x7F70];
	[tilespmem:s6+$0x7F00] =	vst v2;
	v2 =	vmul.f32 v31, v32  }
0xd9: {  	v38 =	vld [tilespmem:s6+$0x7F80];
	[tilespmem:s6+$0x7F10] =	vst v3;
	v3 =	vmul.f32 v33, v32  }
0xda: {  	v39 =	vld [tilespmem:s6+$0x7F90];
	[tilespmem:s6+$0x7F20] =	vst v2;
	v2 =	vmul.f32 v34, v32  }
0xdb: {  	v40 =	vld [tilespmem:s6+$0x7FA0];
	[tilespmem:s6+$0x7F30] =	vst v3;
	v3 =	vmul.f32 v35, v32  }
0xdc: {  	v41 =	vbroadcast v1, $0xD;
	v42 =	vld [tilespmem:s6+$0x7FB0];
	[tilespmem:s6+$0x7F40] =	vst v2;
	v2 =	vmul.f32 v36, v32  }
0xdd: {  	v43 =	vld [tilespmem:s6+$0x7FC0];
	[tilespmem:s6+$0x7F50] =	vst v3;
	v3 =	vmul.f32 v37, v32  }
0xde: {  	v44 =	vld [tilespmem:s6+$0x7FD0];
	[tilespmem:s6+$0x7F60] =	vst v2;
	v2 =	vmul.f32 v38, v41  }
0xdf: {  	v45 =	vld [tilespmem:s6+$0x7FE0];
	[tilespmem:s6+$0x7F70] =	vst v3;
	v3 =	vmul.f32 v39, v41  }
0xe0: {  	v46 =	vld [tilespmem:s6+$0x7FF0];
	[tilespmem:s6+$0x7F80] =	vst v2;
	v2 =	vmul.f32 v40, v41  }
0xe1: {  	v47 =	vld [tilespmem:s6+$0x8000];
	[tilespmem:s6+$0x7F90] =	vst v3;
	v3 =	vmul.f32 v42, v41  }
0xe2: {  	v48 =	vld [tilespmem:s6+$0x8010];
	[tilespmem:s6+$0x7FA0] =	vst v2;
	v2 =	vmul.f32 v43, v41  }
0xe3: {  	v49 =	vld [tilespmem:s6+$0x8020];
	[tilespmem:s6+$0x7FB0] =	vst v3;
	v3 =	vmul.f32 v44, v41  }
0xe4: {  	v50 =	vbroadcast v1, $0xE;
	v51 =	vld [tilespmem:s6+$0x8030];
	[tilespmem:s6+$0x7FC0] =	vst v2;
	v2 =	vmul.f32 v45, v41  }
0xe5: {  	v52 =	vld [tilespmem:s6+$0x8040];
	[tilespmem:s6+$0x7FD0] =	vst v3;
	v3 =	vmul.f32 v46, v41  }
0xe6: {  	v53 =	vld [tilespmem:s6+$0x8050];
	[tilespmem:s6+$0x7FE0] =	vst v2;
	v2 =	vmul.f32 v47, v50  }
0xe7: {  	v54 =	vld [tilespmem:s6+$0x8060];
	[tilespmem:s6+$0x7FF0] =	vst v3;
	v3 =	vmul.f32 v48, v50  }
0xe8: {  	v55 =	vld [tilespmem:s6+$0x8070];
	[tilespmem:s6+$0x8000] =	vst v2;
	v2 =	vmul.f32 v49, v50  }
0xe9: {  	v56 =	vld [tilespmem:s6+$0x8080];
	[tilespmem:s6+$0x8010] =	vst v3;
	v3 =	vmul.f32 v51, v50  }
0xea: {  	v57 =	vld [tilespmem:s6+$0x8090];
	[tilespmem:s6+$0x8020] =	vst v2;
	v2 =	vmul.f32 v52, v50  }
0xeb: {  	v58 =	vld [tilespmem:s6+$0x80A0];
	[tilespmem:s6+$0x8030] =	vst v3;
	v3 =	vmul.f32 v53, v50  }
0xec: {  	v1 =	vbroadcast v1, $0xF;
	v59 =	vld [tilespmem:s6+$0x80B0];
	[tilespmem:s6+$0x8040] =	vst v2;
	v2 =	vmul.f32 v54, v50  }
0xed: {  	v60 =	vld [tilespmem:s6+$0x80C0];
	[tilespmem:s6+$0x8050] =	vst v3;
	v3 =	vmul.f32 v55, v50  }
0xee: {  	v61 =	vld [tilespmem:s6+$0x80D0];
	[tilespmem:s6+$0x8060] =	vst v2;
	v2 =	vmul.f32 v56, v1  }
0xef: {  	v62 =	vld [tilespmem:s6+$0x80E0];
	[tilespmem:s6+$0x8070] =	vst v3;
	v3 =	vmul.f32 v57, v1  }
0xf0: {  	v63 =	vld [tilespmem:s6+$0x80F0];
	[tilespmem:s6+$0x8080] =	vst v2;
	v2 =	vmul.f32 v58, v1  }
0xf1: {  	[tilespmem:s6+$0x8090] =	vst v3;
	v3 =	vmul.f32 v59, v1  }
0xf2: {  	p0 =	sne.s32 s2, $0x4;
	[tilespmem:s6+$0x80A0] =	vst v2;
	v2 =	vmul.f32 v60, v1  }
.Ltmp2:
0xf3: {  	[tilespmem:s6+$0x80B0] =	vst v3;
	v3 =	vmul.f32 v61, v1;
	(pc) =	sbr.rel @p0 .LBB2_7-.Ltmp2, $4  }
0xf4: {  	[tilespmem:s6+$0x80C0] =	vst v2;
	v2 =	vmul.f32 v62, v1  }
0xf5: {  	[tilespmem:s6+$0x80D0] =	vst v3;
	v1 =	vmul.f32 v63, v1  }
0xf6: {  	[tilespmem:s6+$0x80E0] =	vst v2  }
0xf7: {  	s2 =	sadd.s32 $0x1, s2;
	[tilespmem:s6+$0x80F0] =	vst v1  }
0xf8: {  	s31 =	sadd.s32 $0x1, s31  }
0xf9: {  	p0 =	sne.s32 s31, $0x7D  }
.Ltmp3:
0xfa: {  	_ = 	snop;
	(pc) =	sbr.rel @p0 .LBB2_6-.Ltmp3, $4  }
0xfb: {  	[spmem:s1] =	stream.indirect.scatter.add.f32 [tilespmem:s23], [sflag:$0x2], $0x80, s25, s26, $0xb8;
	[tilespmem:$0x1E100] =	vst v63  }
0xfc: {  	_ =	swait.ge [sflag:s21], $0x2800  }
0xfd: {  	[sflag:s21] =	ssyncset.done $0x0  }
0xfe: {  	[sflag:s21] =	ssyncadd.s32 $0xFFFFD800  }
0xff: {  	s2 =	stileid.u32  }
0x100: {  	s2 =	sshll.u32 s2, $0x6  }
0x101: {  	[bflag:$0x0] =	sbarrier.arrive $0xFFFF;
	s6 =	sshrl.u32 s9, $0x3;
	s2 =	sor.u32 $0x1C02, s2  }
0x102: {  	[hbm:s18], [sflag:s2] =	dma.local [spmem:s6], $0x2800  }
0x103: {  	s0 =	sadd.s32 $0x1, s0;
	_ =	swait.ge [sflag:s21], $0x2800  }
0x104: {  	s31 =	simm.s32 $0x400;
	p0 =	sne.s32 s0, s20;
	[sflag:s21] =	ssyncset.done $0x0  }
.Ltmp4:
0x105: {  	s6 =	simm.s32 $0x80;
	[sflag:s21] =	ssyncadd.s32 $0xFFFFD800;
	(pc) =	sbr.rel @p0 .LBB2_1-.Ltmp4, $4  }
0x106: {  	[hbm4b:s19+s6] =	stream.strided.scatter [tilespmem:s29], [sflag:$0x2], $0x2800, s31, s6, $0x38;
	[tilespmem:$0x1E100] =	vst v63  }
0x107: {  	_ =	swait.ge [sflag:s21], $0x2800  }
0x108: {  	[sflag:s21] =	ssyncset.done $0x0  }
0x109: {  	[sflag:s21] =	ssyncadd.s32 $0xFFFFD800  }
0x10a: {  	_ =	sfence.sel $0x180000  }
0x10b: {  	[bflag:$0x0] =	sbarrier.arrive $0xFFFF  }
0x10c: {  	_ =	strace $0x90000047  }
0x10d: {  	s0 =	stileid.u32;
	[bflag:$0x2] =	sbarrier.arrive $0xFFFF  }
0x10e: {  	p0 =	sne.s32 s0, $0x0;
	s0 =	rddreg [dreg:$0x3]  }
0x10f: {  	s0 =	sadd.s32 @!p0 $0x100000, s0  }
0x110: {  	[sflag:s0] =	ssyncadd.tile.s32 @!p0 $0x1;
	_ =	shalt  }
.Lfunc_end2:
_tile_overlayer_lowered:
.L_overlay_start_2:
0x111: {  	(tag) =	ssettag $0x2  }
0x112: {  	s0 =	rddreg [dreg:$0x0];
	s2 =	stileid.u32  }
0x113: {  	s1 =	rddreg [dreg:$0x1];
	p0 =	sne.s32 s2, $0x0  }
0x114: {  	s3 =	rddreg [dreg:$0x2];
	[bflag:$0x3] =	sbarrier.arrive $0xFFFF;
	s2 =	simm.s32 @!p0 $0x1C02  }
0x115: {  	[timem:s3], [sflag:s2] =	dma.local @!p0 [hbm:s0], s1  }
0x116: {  	s0 =	simm.s32 @!p0 $0x2  }
0x117: {  	_ =	swait.ge @!p0 [sflag:s0], s1  }
0x118: {  	s1 =	ssub.s32 @!p0 $0x0, s1;
	[sflag:s0] =	ssyncset.done @!p0 $0x0  }
0x119: {  	[sflag:s0] =	ssyncadd.s32 @!p0 s1  }
0x11a: {  	[bflag:$0x3] =	sbarrier.arrive $0xFFFF  }
0x11b: {  	_ =	shalt  }

</sc_bundles>
